<compile_context>
chip_gen: v7x
topology: tpu7x:2x2x1
jax: 0.10.2.dev20260603
libtpu: 0.0.44.dev20260713+nightly
codegen_flags: <defaults>
</compile_context>

<pallas_src>
import jax
import jax.numpy as jnp
from jax import lax
from jax.experimental import pallas as pl
from jax.experimental.pallas import tpu as pltpu
from jax.experimental.pallas import tpu_sc as plsc

N = 10000
E = 320000
D = 128
C = 10
NC, NS = 2, 16
NW = NC * NS
EPW = E // NW
K = 125
NCH = EPW // K
NP = 10240
RPS = NP // NS
HR = NP // D
EV = EPW // 16
R = 1000
GRID = N // R

_MESH = plsc.VectorSubcoreMesh(core_axis_name="c", subcore_axis_name="s")



def _deg_body(dst_hbm, zz_hbm, out_hbm, dst_v, hist_v):
    c = lax.axis_index("c")
    s = lax.axis_index("s")
    w = c * NS + s
    pltpu.sync_copy(zz_hbm, hist_v)
    pltpu.sync_copy(dst_hbm.at[w], dst_v)
    ones16 = jnp.full((16,), 1.0, jnp.float32)
    lane = lax.iota(jnp.int32, 16)

    def body(i, carry):
        idx = plsc.load_gather(dst_v, [i * 16 + lane])
        plsc.addupdate_scatter(hist_v, [lax.shift_right_logical(idx, 7),
                                        lax.bitwise_and(idx, 127)], ones16)
        return carry

    lax.fori_loop(0, EV, body, 0)
    pltpu.sync_copy(hist_v, out_hbm.at[w])


_deg = pl.kernel(
    _deg_body,
    out_type=jax.ShapeDtypeStruct((NW, HR, D), jnp.float32),
    mesh=_MESH,
    compiler_params=pltpu.CompilerParams(needs_layout_passes=False),
    scratch_types=[
        pltpu.VMEM((EPW,), jnp.int32),
        pltpu.VMEM((HR, D), jnp.float32),
    ],
)


def _agg_body(xs_hbm, src_hbm, dst_hbm, zz_hbm, out_hbm,
              ibuf_v, dst_v, rows_v, acc_sh, sem_i, sem_g, sem_z):
    c = lax.axis_index("c")
    s = lax.axis_index("s")
    w = c * NS + s
    zdesc = pltpu.async_copy(zz_hbm, acc_sh.at[pl.ds(s * RPS, RPS)], sem_z)
    pltpu.sync_copy(dst_hbm.at[w], dst_v)
    pltpu.sync_copy(src_hbm.at[w, 0], ibuf_v.at[0])
    pltpu.async_copy(src_hbm.at[w, 1], ibuf_v.at[1], sem_i.at[1])
    zdesc.wait()
    plsc.subcore_barrier()

    pltpu.async_copy(xs_hbm.at[ibuf_v.at[0]], rows_v.at[0], sem_g.at[0])

    def body(j, carry):
        cur = lax.rem(j, 2)
        nxt = lax.rem(j + 1, 2)
        i1 = lax.rem(j + 1, 3)
        i2 = lax.rem(j + 2, 3)

        @pl.when(j + 2 < NCH)
        def _():
            pltpu.async_copy(src_hbm.at[w, j + 2], ibuf_v.at[i2],
                             sem_i.at[i2])

        pltpu.make_async_copy(xs_hbm.at[ibuf_v.at[lax.rem(j, 3)]],
                              rows_v.at[cur], sem_g.at[cur]).wait()

        @pl.when(j + 1 < NCH)
        def _():
            pltpu.make_async_copy(src_hbm.at[w, j + 1], ibuf_v.at[i1],
                                  sem_i.at[i1]).wait()
            pltpu.async_copy(xs_hbm.at[ibuf_v.at[i1]], rows_v.at[nxt],
                             sem_g.at[nxt])

        pltpu.sync_copy(rows_v.at[cur], acc_sh.at[dst_v.at[j]], add=True)
        return carry

    lax.fori_loop(0, NCH, body, 0)
    plsc.subcore_barrier()
    pltpu.sync_copy(acc_sh.at[pl.ds(s * RPS, RPS)],
                    out_hbm.at[c, pl.ds(s * RPS, RPS)])


_agg = pl.kernel(
    _agg_body,
    out_type=jax.ShapeDtypeStruct((NC, NP, D), jnp.float32),
    mesh=_MESH,
    scratch_types=[
        pltpu.VMEM((3, K), jnp.int32),
        pltpu.VMEM((NCH, K), jnp.int32),
        pltpu.VMEM((2, K, D), jnp.float32),
        pltpu.VMEM_SHARED((NP, D), jnp.float32),
        pltpu.SemaphoreType.DMA((3,)),
        pltpu.SemaphoreType.DMA((2,)),
        pltpu.SemaphoreType.DMA,
    ],
)



def _dinv_body(h_ref, o_ref):
    deg = jnp.sum(h_ref[...], axis=0) + 1.0
    o_ref[...] = lax.rsqrt(deg)


_dinvk = pl.pallas_call(
    _dinv_body,
    grid=(1,),
    in_specs=[pl.BlockSpec((NW, HR, D), lambda i: (0, 0, 0))],
    out_specs=pl.BlockSpec((HR, D), lambda i: (0, 0)),
    out_shape=jax.ShapeDtypeStruct((HR, D), jnp.float32),
)


def _mm_scale_body(x_ref, w_ref, dv_ref, o_ref):
    xw = jnp.dot(x_ref[...], w_ref[...], preferred_element_type=jnp.float32,
                 precision=lax.Precision.HIGHEST)
    o_ref[...] = xw * dv_ref[...]


def _layer2_body(s0_ref, s1_ref, xs_ref, dv_ref, b_ref, w_ref, o_ref):
    dinv = dv_ref[...]
    h = (s0_ref[0] + s1_ref[0] + xs_ref[...]) * dinv + b_ref[...]
    h = jnp.maximum(h, 0.0)
    o_ref[...] = jnp.dot(h, w_ref[...], preferred_element_type=jnp.float32,
                         precision=lax.Precision.HIGHEST) * dinv


def _final_body(t0_ref, t1_ref, xs_ref, dv_ref, b_ref, wl_ref, bl_ref, o_ref):
    h = (t0_ref[0] + t1_ref[0] + xs_ref[...]) * dv_ref[...] + b_ref[...]
    o_ref[...] = jnp.dot(h, wl_ref[...], preferred_element_type=jnp.float32,
                         precision=lax.Precision.HIGHEST) + bl_ref[...]


def _row_spec(cols):
    return pl.BlockSpec((R, cols), lambda i: (i, 0))


def _part_spec(core):
    return pl.BlockSpec((1, R, D), lambda i, core=core: (core, i, 0))


def _full_spec(rows, cols):
    return pl.BlockSpec((rows, cols), lambda i: (0, 0))


_mm_scale = pl.pallas_call(
    _mm_scale_body,
    grid=(GRID,),
    in_specs=[_row_spec(D), _full_spec(D, D), _row_spec(1)],
    out_specs=_row_spec(D),
    out_shape=jax.ShapeDtypeStruct((N, D), jnp.float32),
)

_layer2 = pl.pallas_call(
    _layer2_body,
    grid=(GRID,),
    in_specs=[_part_spec(0), _part_spec(1), _row_spec(D), _row_spec(1),
              _full_spec(1, D), _full_spec(D, D)],
    out_specs=_row_spec(D),
    out_shape=jax.ShapeDtypeStruct((N, D), jnp.float32),
)

_final = pl.pallas_call(
    _final_body,
    grid=(GRID,),
    in_specs=[_part_spec(0), _part_spec(1), _row_spec(D), _row_spec(1),
              _full_spec(1, D), _full_spec(D, C), _full_spec(1, C)],
    out_specs=_row_spec(C),
    out_shape=jax.ShapeDtypeStruct((N, C), jnp.float32),
)


def kernel(x, edge_index, batch, W1, b1, W2, b2, Wlin, blin):
    src = edge_index[0].astype(jnp.int32)
    dst = edge_index[1].astype(jnp.int32)
    src3 = src.reshape(NW, NCH, K)
    dst3 = dst.reshape(NW, NCH, K)
    dst2 = dst.reshape(NW, EPW)
    zz_d = jnp.zeros((RPS, D), jnp.float32)
    zz_h = jnp.zeros((HR, D), jnp.float32)

    hists = _deg(dst2, zz_h)
    dv = _dinvk(hists).reshape(NP, 1)

    xs1 = _mm_scale(x, W1, dv)
    s_part = _agg(xs1, src3, dst3, zz_d)
    xs2 = _layer2(s_part, s_part, xs1, dv, b1.reshape(1, D), W2)
    t_part = _agg(xs2, src3, dst3, zz_d)
    return _final(t_part, t_part, xs2, dv,
                  b2.reshape(1, D), Wlin, blin.reshape(1, C))

# --- scband reference (transcript-rebuilt; emitter-appended) ---
"""Pipeline reference for scband-simple-gnn-69458211111579 (READ-ONLY COPY).

The authoritative reference and input builder live on the scoring server;
editing this copy changes nothing except your own understanding.
"""

import jax, jax.numpy as jnp
import numpy as np

N_NODES = 10000
N_EDGES = 320000
D_FEAT = 128
HIDDEN = 128
N_CLASSES = 10


def gcn_conv(x, src, dst, W, b):
    num_nodes = x.shape[0]
    loop = jnp.arange(num_nodes, dtype=src.dtype)
    src_sl = jnp.concatenate([src, loop])
    dst_sl = jnp.concatenate([dst, loop])
    deg = jnp.zeros((num_nodes,), dtype=x.dtype).at[dst_sl].add(1.0)
    dinv = jnp.where(deg > 0, jax.lax.rsqrt(deg), 0.0)
    norm = dinv[src_sl] * dinv[dst_sl]
    xw = x @ W
    msg = jnp.take(xw, src_sl, axis=0) * norm[:, None]
    out = jax.ops.segment_sum(msg, dst_sl, num_segments=num_nodes)
    return out + b


def setup_inputs(seed: int = 0) -> dict:
    key = jax.random.key(seed)
    k_x, k_ei, k_w1, k_w2, k_wl = jax.random.split(key, 5)
    x = jax.random.normal(k_x, (N_NODES, D_FEAT), dtype=jnp.float32)
    edge_index = jax.random.randint(k_ei, (2, N_EDGES), 0, N_NODES, dtype=jnp.int64 if jax.config.jax_enable_x64 else jnp.int32)
    batch = jnp.zeros((N_NODES,), dtype=edge_index.dtype)
    W1 = jax.random.normal(k_w1, (D_FEAT, HIDDEN), dtype=jnp.float32) * (1.0 / np.sqrt(D_FEAT))
    b1 = jnp.zeros((HIDDEN,), dtype=jnp.float32)
    W2 = jax.random.normal(k_w2, (HIDDEN, HIDDEN), dtype=jnp.float32) * (1.0 / np.sqrt(HIDDEN))
    b2 = jnp.zeros((HIDDEN,), dtype=jnp.float32)
    Wlin = jax.random.normal(k_wl, (HIDDEN, N_CLASSES), dtype=jnp.float32) * (1.0 / np.sqrt(HIDDEN))
    blin = jnp.zeros((N_CLASSES,), dtype=jnp.float32)
    return {"x": x, "edge_index": edge_index, "batch": batch,
            "W1": W1, "b1": b1, "W2": W2, "b2": b2, "Wlin": Wlin, "blin": blin}


def reference(x, edge_index, batch, W1, b1, W2, b2, Wlin, blin):
    src = edge_index[0]
    dst = edge_index[1]
    h = gcn_conv(x, src, dst, W1, b1)
    h = jax.nn.relu(h)
    h = gcn_conv(h, src, dst, W2, b2)
    # dropout is identity in eval mode
    out = h @ Wlin + blin
    return out

if __name__ == "__main__":
    import jax
    _d = setup_inputs()
    print(jax.jit(kernel)(*tuple(_d.values())))

</pallas_src>

<mosaic_0001>
#map = affine_map<(d0, d1) -> (0, 0)>
#map1 = affine_map<(d0, d1) -> (0, 0, 0)>
module attributes {stable_mosaic.version = 14 : i64} {
  func.func @_deg_body(%arg0: i32, %arg1: i32, %arg2: memref<32x10000xi32, #tpu.memory_space<hbm>>, %arg3: memref<80x128xf32, #tpu.memory_space<hbm>>, %arg4: memref<32x80x128xf32, #tpu.memory_space<hbm>>, %arg5: memref<10000xi32, #tpu.memory_space<vmem>>, %arg6: memref<80x128xf32, #tpu.memory_space<vmem>>) attributes {dimension_semantics = [#tpu.dimension_semantics<core_parallel>, #tpu.dimension_semantics<subcore_parallel>], iteration_bounds = array<i64: 2, 16>, scalar_prefetch = 0 : i64, scratch_operands = 2 : i64, tpu.core_type = #tpu.core_type<sc_vector_subcore>, window_params = [{transform_indices = #map}, {transform_indices = #map}, {transform_indices = #map1}]} {
    %mul3A = arith.constant 16 : i32
    %mul3A_0 = arith.muli %arg0, %mul3A : i32
    %add3A = arith.addi %mul3A_0, %arg1 : i32
    "tpu.region"() ({
      %run_scoped3A = tpu.sem_alloc : memref<!tpu.dma_semaphore, #tpu.memory_space<semaphore_mem>>
      tpu.enqueue_dma source(%arg3 : memref<80x128xf32, #tpu.memory_space<hbm>>) target(%arg6 : memref<80x128xf32, #tpu.memory_space<vmem>>) target_semaphore(%run_scoped3A : memref<!tpu.dma_semaphore, #tpu.memory_space<semaphore_mem>>)
      tpu.wait_dma2 semaphore(%run_scoped3A : memref<!tpu.dma_semaphore, #tpu.memory_space<semaphore_mem>>) src(%arg3 : memref<80x128xf32, #tpu.memory_space<hbm>>) dst(%arg6 : memref<80x128xf32, #tpu.memory_space<vmem>>)
      tpu.yield
    }) : () -> ()
    "tpu.region"() ({
      %run_scoped3A = tpu.sem_alloc : memref<!tpu.dma_semaphore, #tpu.memory_space<semaphore_mem>>
      %dma_start3A = arith.constant 0 : i32
      %dma_start3A_7 = tpu.memref_slice %arg2[%add3A, %dma_start3A] : memref<32x10000xi32, #tpu.memory_space<hbm>> -> memref<1x10000xi32, #tpu.memory_space<hbm>>
      %dma_start3A_8 = tpu.memref_squeeze %dma_start3A_7 : memref<1x10000xi32, #tpu.memory_space<hbm>> -> memref<10000xi32, #tpu.memory_space<hbm>>
      %dma_start3A_9 = arith.constant 0 : i32
      %dma_start3A_10 = tpu.memref_slice %arg2[%add3A, %dma_start3A_9] : memref<32x10000xi32, #tpu.memory_space<hbm>> -> memref<1x10000xi32, #tpu.memory_space<hbm>>
      %dma_start3A_11 = tpu.memref_squeeze %dma_start3A_10 : memref<1x10000xi32, #tpu.memory_space<hbm>> -> memref<10000xi32, #tpu.memory_space<hbm>>
      tpu.enqueue_dma source(%dma_start3A_11 : memref<10000xi32, #tpu.memory_space<hbm>>) target(%arg5 : memref<10000xi32, #tpu.memory_space<vmem>>) target_semaphore(%run_scoped3A : memref<!tpu.dma_semaphore, #tpu.memory_space<semaphore_mem>>)
      %dma_wait3A = arith.constant 0 : i32
      %dma_wait3A_12 = tpu.memref_slice %arg2[%add3A, %dma_wait3A] : memref<32x10000xi32, #tpu.memory_space<hbm>> -> memref<1x10000xi32, #tpu.memory_space<hbm>>
      %dma_wait3A_13 = tpu.memref_squeeze %dma_wait3A_12 : memref<1x10000xi32, #tpu.memory_space<hbm>> -> memref<10000xi32, #tpu.memory_space<hbm>>
      %dma_wait3A_14 = arith.constant 0 : i32
      %dma_wait3A_15 = tpu.memref_slice %arg2[%add3A, %dma_wait3A_14] : memref<32x10000xi32, #tpu.memory_space<hbm>> -> memref<1x10000xi32, #tpu.memory_space<hbm>>
      %dma_wait3A_16 = tpu.memref_squeeze %dma_wait3A_15 : memref<1x10000xi32, #tpu.memory_space<hbm>> -> memref<10000xi32, #tpu.memory_space<hbm>>
      tpu.wait_dma2 semaphore(%run_scoped3A : memref<!tpu.dma_semaphore, #tpu.memory_space<semaphore_mem>>) src(%dma_wait3A_16 : memref<10000xi32, #tpu.memory_space<hbm>>) dst(%arg5 : memref<10000xi32, #tpu.memory_space<vmem>>)
      tpu.yield
    }) : () -> ()
    %broadcast_in_dim3A = arith.constant 1.000000e+00 : f32
    %broadcast_in_dim3A_1 = vector.broadcast %broadcast_in_dim3A : f32 to vector<16xf32>
    %iota3A = tpu.iota {dimensions = array<i32: 0>} : vector<16xi32>
    %scan3A = arith.constant 0 : i32
    %scan3A_2 = arith.constant 0 : i32
    %scan3A_3 = arith.constant 625 : i32
    %scan3A_4 = arith.addi %scan3A_2, %scan3A_3 : i32
    %scan3A_5 = arith.constant 1 : i32
    scf.for %scan3A_7 = %scan3A_2 to %scan3A_4 step %scan3A_5  : i32 {
      %mul3A_8 = arith.constant 16 : i32
      %mul3A_9 = arith.muli %scan3A_7, %mul3A_8 : i32
      %add3A_10 = vector.broadcast %mul3A_9 : i32 to vector<16xi32>
      %add3A_11 = arith.addi %add3A_10, %iota3A : vector<16xi32>
      %gather3A = tpu.vector_load_idx %arg5[%add3A_11] : memref<10000xi32, #tpu.memory_space<vmem>>[vector<16xi32>], vector<16xi32>,
      %shift_right_logical3A = arith.constant 7 : i32
      %shift_right_logical3A_12 = vector.broadcast %shift_right_logical3A : i32 to vector<16xi32>
      %shift_right_logical3A_13 = arith.shrui %gather3A, %shift_right_logical3A_12 : vector<16xi32>
      %and3A = arith.constant 127 : i32
      %and3A_14 = vector.broadcast %and3A : i32 to vector<16xi32>
      %and3A_15 = arith.andi %gather3A, %and3A_14 : vector<16xi32>
      tpu.vector_store_idx %arg6[%shift_right_logical3A_13, %and3A_15], %broadcast_in_dim3A_1 {add = true} : memref<80x128xf32, #tpu.memory_space<vmem>>[vector<16xi32>, vector<16xi32>], vector<16xf32>,
    }
    %scan3A_6 = arith.constant 625 : i32
    "tpu.region"() ({
      %run_scoped3A = tpu.sem_alloc : memref<!tpu.dma_semaphore, #tpu.memory_space<semaphore_mem>>
      %dma_start3A = arith.constant 0 : i32
      %dma_start3A_7 = arith.constant 0 : i32
      %dma_start3A_8 = tpu.memref_slice %arg4[%add3A, %dma_start3A, %dma_start3A_7] : memref<32x80x128xf32, #tpu.memory_space<hbm>> -> memref<1x80x128xf32, #tpu.memory_space<hbm>>
      %dma_start3A_9 = tpu.memref_squeeze %dma_start3A_8 : memref<1x80x128xf32, #tpu.memory_space<hbm>> -> memref<80x128xf32, #tpu.memory_space<hbm>>
      %dma_start3A_10 = arith.constant 0 : i32
      %dma_start3A_11 = arith.constant 0 : i32
      %dma_start3A_12 = tpu.memref_slice %arg4[%add3A, %dma_start3A_10, %dma_start3A_11] : memref<32x80x128xf32, #tpu.memory_space<hbm>> -> memref<1x80x128xf32, #tpu.memory_space<hbm>>
      %dma_start3A_13 = tpu.memref_squeeze %dma_start3A_12 : memref<1x80x128xf32, #tpu.memory_space<hbm>> -> memref<80x128xf32, #tpu.memory_space<hbm>>
      tpu.enqueue_dma source(%arg6 : memref<80x128xf32, #tpu.memory_space<vmem>>) target(%dma_start3A_13 : memref<80x128xf32, #tpu.memory_space<hbm>>) target_semaphore(%run_scoped3A : memref<!tpu.dma_semaphore, #tpu.memory_space<semaphore_mem>>)
      %dma_wait3A = arith.constant 0 : i32
      %dma_wait3A_14 = arith.constant 0 : i32
      %dma_wait3A_15 = tpu.memref_slice %arg4[%add3A, %dma_wait3A, %dma_wait3A_14] : memref<32x80x128xf32, #tpu.memory_space<hbm>> -> memref<1x80x128xf32, #tpu.memory_space<hbm>>
      %dma_wait3A_16 = tpu.memref_squeeze %dma_wait3A_15 : memref<1x80x128xf32, #tpu.memory_space<hbm>> -> memref<80x128xf32, #tpu.memory_space<hbm>>
      %dma_wait3A_17 = arith.constant 0 : i32
      %dma_wait3A_18 = arith.constant 0 : i32
      %dma_wait3A_19 = tpu.memref_slice %arg4[%add3A, %dma_wait3A_17, %dma_wait3A_18] : memref<32x80x128xf32, #tpu.memory_space<hbm>> -> memref<1x80x128xf32, #tpu.memory_space<hbm>>
      %dma_wait3A_20 = tpu.memref_squeeze %dma_wait3A_19 : memref<1x80x128xf32, #tpu.memory_space<hbm>> -> memref<80x128xf32, #tpu.memory_space<hbm>>
      tpu.wait_dma2 semaphore(%run_scoped3A : memref<!tpu.dma_semaphore, #tpu.memory_space<semaphore_mem>>) src(%arg6 : memref<80x128xf32, #tpu.memory_space<vmem>>) dst(%dma_wait3A_20 : memref<80x128xf32, #tpu.memory_space<hbm>>)
      tpu.yield
    }) : () -> ()
    return
  }
}

#map = affine_map<(d0, d1) -> (0, 0)>
#map1 = affine_map<(d0, d1) -> (0, 0, 0)>
module attributes {stable_mosaic.version = 14 : i64} {
  func.func @_agg_body(%arg0: i32, %arg1: i32, %arg2: memref<10000x128xf32, #tpu.memory_space<hbm>>, %arg3: memref<32x80x125xi32, #tpu.memory_space<hbm>>, %arg4: memref<32x80x125xi32, #tpu.memory_space<hbm>>, %arg5: memref<640x128xf32, #tpu.memory_space<hbm>>, %arg6: memref<2x10240x128xf32, #tpu.memory_space<hbm>>, %arg7: memref<3x125xi32, #tpu.memory_space<vmem>>, %arg8: memref<80x125xi32, #tpu.memory_space<vmem>>, %arg9: memref<2x125x128xf32, #tpu.memory_space<vmem>>, %arg10: memref<10240x128xf32, #tpu.memory_space<vmem_shared>>, %arg11: memref<3x!tpu.dma_semaphore, #tpu.memory_space<semaphore_mem>>, %arg12: memref<2x!tpu.dma_semaphore, #tpu.memory_space<semaphore_mem>>, %arg13: memref<!tpu.dma_semaphore, #tpu.memory_space<semaphore_mem>>) attributes {dimension_semantics = [#tpu.dimension_semantics<core_parallel>, #tpu.dimension_semantics<subcore_parallel>], iteration_bounds = array<i64: 2, 16>, scalar_prefetch = 0 : i64, scratch_operands = 7 : i64, tpu.core_type = #tpu.core_type<sc_vector_subcore>, window_params = [{transform_indices = #map}, {transform_indices = #map1}, {transform_indices = #map1}, {transform_indices = #map}, {transform_indices = #map1}]} {
    %mul3A = arith.constant 16 : i32
    %mul3A_0 = arith.muli %arg0, %mul3A : i32
    %add3A = arith.addi %mul3A_0, %arg1 : i32
    %mul3A_1 = arith.constant 640 : i32
    %mul3A_2 = arith.muli %arg1, %mul3A_1 : i32
    %dma_start3A = arith.constant 0 : i32
    %dma_start3A_3 = tpu.memref_slice %arg10[%mul3A_2, %dma_start3A] : memref<10240x128xf32, #tpu.memory_space<vmem_shared>> -> memref<640x128xf32, #tpu.memory_space<vmem_shared>>
    tpu.enqueue_dma source(%arg5 : memref<640x128xf32, #tpu.memory_space<hbm>>) target(%dma_start3A_3 : memref<640x128xf32, #tpu.memory_space<vmem_shared>>) target_semaphore(%arg13 : memref<!tpu.dma_semaphore, #tpu.memory_space<semaphore_mem>>)
    "tpu.region"() ({
      %run_scoped3A_48 = tpu.sem_alloc : memref<!tpu.dma_semaphore, #tpu.memory_space<semaphore_mem>>
      %dma_start3A_49 = arith.constant 0 : i32
      %dma_start3A_50 = arith.constant 0 : i32
      %dma_start3A_51 = tpu.memref_slice %arg4[%add3A, %dma_start3A_49, %dma_start3A_50] : memref<32x80x125xi32, #tpu.memory_space<hbm>> -> memref<1x80x125xi32, #tpu.memory_space<hbm>>
      %dma_start3A_52 = tpu.memref_squeeze %dma_start3A_51 : memref<1x80x125xi32, #tpu.memory_space<hbm>> -> memref<80x125xi32, #tpu.memory_space<hbm>>
      %dma_start3A_53 = arith.constant 0 : i32
      %dma_start3A_54 = arith.constant 0 : i32
      %dma_start3A_55 = tpu.memref_slice %arg4[%add3A, %dma_start3A_53, %dma_start3A_54] : memref<32x80x125xi32, #tpu.memory_space<hbm>> -> memref<1x80x125xi32, #tpu.memory_space<hbm>>
      %dma_start3A_56 = tpu.memref_squeeze %dma_start3A_55 : memref<1x80x125xi32, #tpu.memory_space<hbm>> -> memref<80x125xi32, #tpu.memory_space<hbm>>
      tpu.enqueue_dma source(%dma_start3A_56 : memref<80x125xi32, #tpu.memory_space<hbm>>) target(%arg8 : memref<80x125xi32, #tpu.memory_space<vmem>>) target_semaphore(%run_scoped3A_48 : memref<!tpu.dma_semaphore, #tpu.memory_space<semaphore_mem>>)
      %dma_wait3A_57 = arith.constant 0 : i32
      %dma_wait3A_58 = arith.constant 0 : i32
      %dma_wait3A_59 = tpu.memref_slice %arg4[%add3A, %dma_wait3A_57, %dma_wait3A_58] : memref<32x80x125xi32, #tpu.memory_space<hbm>> -> memref<1x80x125xi32, #tpu.memory_space<hbm>>
      %dma_wait3A_60 = tpu.memref_squeeze %dma_wait3A_59 : memref<1x80x125xi32, #tpu.memory_space<hbm>> -> memref<80x125xi32, #tpu.memory_space<hbm>>
      %dma_wait3A_61 = arith.constant 0 : i32
      %dma_wait3A_62 = arith.constant 0 : i32
      %dma_wait3A_63 = tpu.memref_slice %arg4[%add3A, %dma_wait3A_61, %dma_wait3A_62] : memref<32x80x125xi32, #tpu.memory_space<hbm>> -> memref<1x80x125xi32, #tpu.memory_space<hbm>>
      %dma_wait3A_64 = tpu.memref_squeeze %dma_wait3A_63 : memref<1x80x125xi32, #tpu.memory_space<hbm>> -> memref<80x125xi32, #tpu.memory_space<hbm>>
      tpu.wait_dma2 semaphore(%run_scoped3A_48 : memref<!tpu.dma_semaphore, #tpu.memory_space<semaphore_mem>>) src(%dma_wait3A_64 : memref<80x125xi32, #tpu.memory_space<hbm>>) dst(%arg8 : memref<80x125xi32, #tpu.memory_space<vmem>>)
      tpu.yield
    }) : () -> ()
    %run_scoped3A = arith.constant 0 : i32
    %run_scoped3A_4 = arith.constant 0 : i32
    "tpu.region"() ({
      %run_scoped3A_48 = tpu.sem_alloc : memref<!tpu.dma_semaphore, #tpu.memory_space<semaphore_mem>>
      %dma_start3A_49 = arith.constant 0 : i32
      %dma_start3A_50 = tpu.memref_slice %arg7[%run_scoped3A_4, %dma_start3A_49] : memref<3x125xi32, #tpu.memory_space<vmem>> -> memref<1x125xi32, #tpu.memory_space<vmem>>
      %dma_start3A_51 = tpu.memref_squeeze %dma_start3A_50 : memref<1x125xi32, #tpu.memory_space<vmem>> -> memref<125xi32, #tpu.memory_space<vmem>>
      %dma_start3A_52 = arith.constant 0 : i32
      %dma_start3A_53 = tpu.memref_slice %arg3[%add3A, %run_scoped3A, %dma_start3A_52] : memref<32x80x125xi32, #tpu.memory_space<hbm>> -> memref<1x1x125xi32, #tpu.memory_space<hbm>>
      %dma_start3A_54 = tpu.memref_squeeze %dma_start3A_53 : memref<1x1x125xi32, #tpu.memory_space<hbm>> -> memref<125xi32, #tpu.memory_space<hbm>>
      %dma_start3A_55 = arith.constant 0 : i32
      %dma_start3A_56 = tpu.memref_slice %arg7[%run_scoped3A_4, %dma_start3A_55] : memref<3x125xi32, #tpu.memory_space<vmem>> -> memref<1x125xi32, #tpu.memory_space<vmem>>
      %dma_start3A_57 = tpu.memref_squeeze %dma_start3A_56 : memref<1x125xi32, #tpu.memory_space<vmem>> -> memref<125xi32, #tpu.memory_space<vmem>>
      %dma_start3A_58 = arith.constant 0 : i32
      %dma_start3A_59 = tpu.memref_slice %arg3[%add3A, %run_scoped3A, %dma_start3A_58] : memref<32x80x125xi32, #tpu.memory_space<hbm>> -> memref<1x1x125xi32, #tpu.memory_space<hbm>>
      %dma_start3A_60 = tpu.memref_squeeze %dma_start3A_59 : memref<1x1x125xi32, #tpu.memory_space<hbm>> -> memref<125xi32, #tpu.memory_space<hbm>>
      tpu.enqueue_dma source(%dma_start3A_60 : memref<125xi32, #tpu.memory_space<hbm>>) target(%dma_start3A_57 : memref<125xi32, #tpu.memory_space<vmem>>) target_semaphore(%run_scoped3A_48 : memref<!tpu.dma_semaphore, #tpu.memory_space<semaphore_mem>>)
      %dma_wait3A_61 = arith.constant 0 : i32
      %dma_wait3A_62 = tpu.memref_slice %arg7[%run_scoped3A_4, %dma_wait3A_61] : memref<3x125xi32, #tpu.memory_space<vmem>> -> memref<1x125xi32, #tpu.memory_space<vmem>>
      %dma_wait3A_63 = tpu.memref_squeeze %dma_wait3A_62 : memref<1x125xi32, #tpu.memory_space<vmem>> -> memref<125xi32, #tpu.memory_space<vmem>>
      %dma_wait3A_64 = arith.constant 0 : i32
      %dma_wait3A_65 = tpu.memref_slice %arg3[%add3A, %run_scoped3A, %dma_wait3A_64] : memref<32x80x125xi32, #tpu.memory_space<hbm>> -> memref<1x1x125xi32, #tpu.memory_space<hbm>>
      %dma_wait3A_66 = tpu.memref_squeeze %dma_wait3A_65 : memref<1x1x125xi32, #tpu.memory_space<hbm>> -> memref<125xi32, #tpu.memory_space<hbm>>
      %dma_wait3A_67 = arith.constant 0 : i32
      %dma_wait3A_68 = tpu.memref_slice %arg7[%run_scoped3A_4, %dma_wait3A_67] : memref<3x125xi32, #tpu.memory_space<vmem>> -> memref<1x125xi32, #tpu.memory_space<vmem>>
      %dma_wait3A_69 = tpu.memref_squeeze %dma_wait3A_68 : memref<1x125xi32, #tpu.memory_space<vmem>> -> memref<125xi32, #tpu.memory_space<vmem>>
      %dma_wait3A_70 = arith.constant 0 : i32
      %dma_wait3A_71 = tpu.memref_slice %arg3[%add3A, %run_scoped3A, %dma_wait3A_70] : memref<32x80x125xi32, #tpu.memory_space<hbm>> -> memref<1x1x125xi32, #tpu.memory_space<hbm>>
      %dma_wait3A_72 = tpu.memref_squeeze %dma_wait3A_71 : memref<1x1x125xi32, #tpu.memory_space<hbm>> -> memref<125xi32, #tpu.memory_space<hbm>>
      tpu.wait_dma2 semaphore(%run_scoped3A_48 : memref<!tpu.dma_semaphore, #tpu.memory_space<semaphore_mem>>) src(%dma_wait3A_72 : memref<125xi32, #tpu.memory_space<hbm>>) dst(%dma_wait3A_69 : memref<125xi32, #tpu.memory_space<vmem>>)
      tpu.yield
    }) : () -> ()
    %dma_start3A_5 = arith.constant 1 : i32
    %dma_start3A_6 = arith.constant 1 : i32
    %dma_start3A_7 = arith.constant 1 : i32
    %dma_start3A_8 = arith.constant 0 : i32
    %dma_start3A_9 = tpu.memref_slice %arg7[%dma_start3A_6, %dma_start3A_8] : memref<3x125xi32, #tpu.memory_space<vmem>> -> memref<1x125xi32, #tpu.memory_space<vmem>>
    %dma_start3A_10 = tpu.memref_squeeze %dma_start3A_9 : memref<1x125xi32, #tpu.memory_space<vmem>> -> memref<125xi32, #tpu.memory_space<vmem>>
    %dma_start3A_11 = arith.constant 0 : i32
    %dma_start3A_12 = tpu.memref_slice %arg3[%add3A, %dma_start3A_5, %dma_start3A_11] : memref<32x80x125xi32, #tpu.memory_space<hbm>> -> memref<1x1x125xi32, #tpu.memory_space<hbm>>
    %dma_start3A_13 = tpu.memref_squeeze %dma_start3A_12 : memref<1x1x125xi32, #tpu.memory_space<hbm>> -> memref<125xi32, #tpu.memory_space<hbm>>
    %dma_start3A_14 = tpu.memref_slice %arg11[%dma_start3A_7] : memref<3x!tpu.dma_semaphore, #tpu.memory_space<semaphore_mem>> -> memref<1x!tpu.dma_semaphore, #tpu.memory_space<semaphore_mem>>
    %dma_start3A_15 = tpu.memref_squeeze %dma_start3A_14 : memref<1x!tpu.dma_semaphore, #tpu.memory_space<semaphore_mem>> -> memref<!tpu.dma_semaphore, #tpu.memory_space<semaphore_mem>>
    %dma_start3A_16 = arith.constant 0 : i32
    %dma_start3A_17 = tpu.memref_slice %arg7[%dma_start3A_6, %dma_start3A_16] : memref<3x125xi32, #tpu.memory_space<vmem>> -> memref<1x125xi32, #tpu.memory_space<vmem>>
    %dma_start3A_18 = tpu.memref_squeeze %dma_start3A_17 : memref<1x125xi32, #tpu.memory_space<vmem>> -> memref<125xi32, #tpu.memory_space<vmem>>
    %dma_start3A_19 = arith.constant 0 : i32
    %dma_start3A_20 = tpu.memref_slice %arg3[%add3A, %dma_start3A_5, %dma_start3A_19] : memref<32x80x125xi32, #tpu.memory_space<hbm>> -> memref<1x1x125xi32, #tpu.memory_space<hbm>>
    %dma_start3A_21 = tpu.memref_squeeze %dma_start3A_20 : memref<1x1x125xi32, #tpu.memory_space<hbm>> -> memref<125xi32, #tpu.memory_space<hbm>>
    tpu.enqueue_dma source(%dma_start3A_21 : memref<125xi32, #tpu.memory_space<hbm>>) target(%dma_start3A_18 : memref<125xi32, #tpu.memory_space<vmem>>) target_semaphore(%dma_start3A_15 : memref<!tpu.dma_semaphore, #tpu.memory_space<semaphore_mem>>)
    %dma_wait3A = arith.constant 0 : i32
    %dma_wait3A_22 = tpu.memref_slice %arg10[%mul3A_2, %dma_wait3A] : memref<10240x128xf32, #tpu.memory_space<vmem_shared>> -> memref<640x128xf32, #tpu.memory_space<vmem_shared>>
    tpu.wait_dma2 semaphore(%arg13 : memref<!tpu.dma_semaphore, #tpu.memory_space<semaphore_mem>>) src(%arg5 : memref<640x128xf32, #tpu.memory_space<hbm>>) dst(%dma_wait3A_22 : memref<640x128xf32, #tpu.memory_space<vmem_shared>>)
    %barrier3A = arith.constant 0 : index
    tpu.barrier barrier_id(%barrier3A)
    %dma_start3A_23 = arith.constant 0 : i32
    %dma_start3A_24 = arith.constant 0 : i32
    %dma_start3A_25 = arith.constant 0 : i32
    %dma_start3A_26 = arith.constant 0 : i32
    %dma_start3A_27 = arith.constant 0 : i32
    %dma_start3A_28 = tpu.memref_slice %arg9[%dma_start3A_24, %dma_start3A_26, %dma_start3A_27] : memref<2x125x128xf32, #tpu.memory_space<vmem>> -> memref<1x125x128xf32, #tpu.memory_space<vmem>>
    %dma_start3A_29 = tpu.memref_squeeze %dma_start3A_28 : memref<1x125x128xf32, #tpu.memory_space<vmem>> -> memref<125x128xf32, #tpu.memory_space<vmem>>
    %dma_start3A_30 = arith.constant 0 : i32
    %dma_start3A_31 = tpu.memref_slice %arg7[%dma_start3A_23, %dma_start3A_30] : memref<3x125xi32, #tpu.memory_space<vmem>> -> memref<1x125xi32, #tpu.memory_space<vmem>>
    %dma_start3A_32 = tpu.memref_squeeze %dma_start3A_31 : memref<1x125xi32, #tpu.memory_space<vmem>> -> memref<125xi32, #tpu.memory_space<vmem>>
    %dma_start3A_33 = arith.constant 0 : i32
    %dma_start3A_34 = arith.constant 0 : i32
    %dma_start3A_35 = tpu.memref_slice %arg2[%dma_start3A_33, %dma_start3A_34] : memref<10000x128xf32, #tpu.memory_space<hbm>> -> memref<10000x128xf32, #tpu.memory_space<hbm>>
    %dma_start3A_36 = tpu.memref_slice %arg12[%dma_start3A_25] : memref<2x!tpu.dma_semaphore, #tpu.memory_space<semaphore_mem>> -> memref<1x!tpu.dma_semaphore, #tpu.memory_space<semaphore_mem>>
    %dma_start3A_37 = tpu.memref_squeeze %dma_start3A_36 : memref<1x!tpu.dma_semaphore, #tpu.memory_space<semaphore_mem>> -> memref<!tpu.dma_semaphore, #tpu.memory_space<semaphore_mem>>
    tpu.enqueue_indirect_dma source(%dma_start3A_35 : memref<10000x128xf32, #tpu.memory_space<hbm>>) target(%dma_start3A_29 : memref<125x128xf32, #tpu.memory_space<vmem>>) offsets(%dma_start3A_32 : memref<125xi32, #tpu.memory_space<vmem>>) semaphore(%dma_start3A_37 : memref<!tpu.dma_semaphore, #tpu.memory_space<semaphore_mem>>)
    %scan3A = arith.constant 0 : i32
    %scan3A_38 = arith.constant 0 : i32
    %scan3A_39 = arith.constant 80 : i32
    %scan3A_40 = arith.addi %scan3A_38, %scan3A_39 : i32
    %scan3A_41 = arith.constant 1 : i32
    scf.for %scan3A_48 = %scan3A_38 to %scan3A_40 step %scan3A_41  : i32 {
      %rem3A = arith.constant 2 : i32
      %rem3A_49 = arith.remsi %scan3A_48, %rem3A : i32
      %add3A_50 = arith.constant 1 : i32
      %add3A_51 = arith.addi %scan3A_48, %add3A_50 : i32
      %rem3A_52 = arith.constant 2 : i32
      %rem3A_53 = arith.remsi %add3A_51, %rem3A_52 : i32
      %add3A_54 = arith.constant 1 : i32
      %add3A_55 = arith.addi %scan3A_48, %add3A_54 : i32
      %rem3A_56 = arith.constant 3 : i32
      %rem3A_57 = arith.remsi %add3A_55, %rem3A_56 : i32
      %add3A_58 = arith.constant 2 : i32
      %add3A_59 = arith.addi %scan3A_48, %add3A_58 : i32
      %rem3A_60 = arith.constant 3 : i32
      %rem3A_61 = arith.remsi %add3A_59, %rem3A_60 : i32
      %add3A_62 = arith.constant 2 : i32
      %add3A_63 = arith.addi %scan3A_48, %add3A_62 : i32
      %lt3A = arith.constant 80 : i32
      %lt3A_64 = arith.cmpi slt, %add3A_63, %lt3A : i32
      %convert_element_type3A = arith.extui %lt3A_64 : i1 to i32
      %cond3A = arith.constant 0 : i32
      %cond3A_65 = arith.cmpi ne, %convert_element_type3A, %cond3A : i32
      scf.if %cond3A_65 {
        %add3A_87 = arith.constant 2 : i32
        %add3A_88 = arith.addi %scan3A_48, %add3A_87 : i32
        %dma_start3A_89 = arith.constant 0 : i32
        %dma_start3A_90 = tpu.memref_slice %arg7[%rem3A_61, %dma_start3A_89] : memref<3x125xi32, #tpu.memory_space<vmem>> -> memref<1x125xi32, #tpu.memory_space<vmem>>
        %dma_start3A_91 = tpu.memref_squeeze %dma_start3A_90 : memref<1x125xi32, #tpu.memory_space<vmem>> -> memref<125xi32, #tpu.memory_space<vmem>>
        %dma_start3A_92 = arith.constant 0 : i32
        %dma_start3A_93 = tpu.memref_slice %arg3[%add3A, %add3A_88, %dma_start3A_92] : memref<32x80x125xi32, #tpu.memory_space<hbm>> -> memref<1x1x125xi32, #tpu.memory_space<hbm>>
        %dma_start3A_94 = tpu.memref_squeeze %dma_start3A_93 : memref<1x1x125xi32, #tpu.memory_space<hbm>> -> memref<125xi32, #tpu.memory_space<hbm>>
        %dma_start3A_95 = tpu.memref_slice %arg11[%rem3A_61] : memref<3x!tpu.dma_semaphore, #tpu.memory_space<semaphore_mem>> -> memref<1x!tpu.dma_semaphore, #tpu.memory_space<semaphore_mem>>
        %dma_start3A_96 = tpu.memref_squeeze %dma_start3A_95 : memref<1x!tpu.dma_semaphore, #tpu.memory_space<semaphore_mem>> -> memref<!tpu.dma_semaphore, #tpu.memory_space<semaphore_mem>>
        %dma_start3A_97 = arith.constant 0 : i32
        %dma_start3A_98 = tpu.memref_slice %arg7[%rem3A_61, %dma_start3A_97] : memref<3x125xi32, #tpu.memory_space<vmem>> -> memref<1x125xi32, #tpu.memory_space<vmem>>
        %dma_start3A_99 = tpu.memref_squeeze %dma_start3A_98 : memref<1x125xi32, #tpu.memory_space<vmem>> -> memref<125xi32, #tpu.memory_space<vmem>>
        %dma_start3A_100 = arith.constant 0 : i32
        %dma_start3A_101 = tpu.memref_slice %arg3[%add3A, %add3A_88, %dma_start3A_100] : memref<32x80x125xi32, #tpu.memory_space<hbm>> -> memref<1x1x125xi32, #tpu.memory_space<hbm>>
        %dma_start3A_102 = tpu.memref_squeeze %dma_start3A_101 : memref<1x1x125xi32, #tpu.memory_space<hbm>> -> memref<125xi32, #tpu.memory_space<hbm>>
        tpu.enqueue_dma source(%dma_start3A_102 : memref<125xi32, #tpu.memory_space<hbm>>) target(%dma_start3A_99 : memref<125xi32, #tpu.memory_space<vmem>>) target_semaphore(%dma_start3A_96 : memref<!tpu.dma_semaphore, #tpu.memory_space<semaphore_mem>>)
      } else {
      }
      %rem3A_66 = arith.constant 3 : i32
      %rem3A_67 = arith.remsi %scan3A_48, %rem3A_66 : i32
      %dma_wait3A_68 = arith.constant 0 : i32
      %dma_wait3A_69 = arith.constant 0 : i32
      %dma_wait3A_70 = tpu.memref_slice %arg9[%rem3A_49, %dma_wait3A_68, %dma_wait3A_69] : memref<2x125x128xf32, #tpu.memory_space<vmem>> -> memref<1x125x128xf32, #tpu.memory_space<vmem>>
      %dma_wait3A_71 = tpu.memref_squeeze %dma_wait3A_70 : memref<1x125x128xf32, #tpu.memory_space<vmem>> -> memref<125x128xf32, #tpu.memory_space<vmem>>
      %dma_wait3A_72 = arith.constant 0 : i32
      %dma_wait3A_73 = tpu.memref_slice %arg7[%rem3A_67, %dma_wait3A_72] : memref<3x125xi32, #tpu.memory_space<vmem>> -> memref<1x125xi32, #tpu.memory_space<vmem>>
      %dma_wait3A_74 = tpu.memref_squeeze %dma_wait3A_73 : memref<1x125xi32, #tpu.memory_space<vmem>> -> memref<125xi32, #tpu.memory_space<vmem>>
      %dma_wait3A_75 = arith.constant 0 : i32
      %dma_wait3A_76 = arith.constant 0 : i32
      %dma_wait3A_77 = tpu.memref_slice %arg2[%dma_wait3A_75, %dma_wait3A_76] : memref<10000x128xf32, #tpu.memory_space<hbm>> -> memref<10000x128xf32, #tpu.memory_space<hbm>>
      %dma_wait3A_78 = tpu.memref_slice %arg12[%rem3A_49] : memref<2x!tpu.dma_semaphore, #tpu.memory_space<semaphore_mem>> -> memref<1x!tpu.dma_semaphore, #tpu.memory_space<semaphore_mem>>
      %dma_wait3A_79 = tpu.memref_squeeze %dma_wait3A_78 : memref<1x!tpu.dma_semaphore, #tpu.memory_space<semaphore_mem>> -> memref<!tpu.dma_semaphore, #tpu.memory_space<semaphore_mem>>
      tpu.wait_indirect_dma semaphore(%dma_wait3A_79 : memref<!tpu.dma_semaphore, #tpu.memory_space<semaphore_mem>>) src(%dma_wait3A_77 : memref<10000x128xf32, #tpu.memory_space<hbm>>) dst(%dma_wait3A_71 : memref<125x128xf32, #tpu.memory_space<vmem>>)
      %add3A_80 = arith.constant 1 : i32
      %add3A_81 = arith.addi %scan3A_48, %add3A_80 : i32
      %lt3A_82 = arith.constant 80 : i32
      %lt3A_83 = arith.cmpi slt, %add3A_81, %lt3A_82 : i32
      %convert_element_type3A_84 = arith.extui %lt3A_83 : i1 to i32
      %cond3A_85 = arith.constant 0 : i32
      %cond3A_86 = arith.cmpi ne, %convert_element_type3A_84, %cond3A_85 : i32
      scf.if %cond3A_86 {
        %add3A_87 = arith.constant 1 : i32
        %add3A_88 = arith.addi %scan3A_48, %add3A_87 : i32
        %dma_wait3A_89 = arith.constant 0 : i32
        %dma_wait3A_90 = tpu.memref_slice %arg7[%rem3A_57, %dma_wait3A_89] : memref<3x125xi32, #tpu.memory_space<vmem>> -> memref<1x125xi32, #tpu.memory_space<vmem>>
        %dma_wait3A_91 = tpu.memref_squeeze %dma_wait3A_90 : memref<1x125xi32, #tpu.memory_space<vmem>> -> memref<125xi32, #tpu.memory_space<vmem>>
        %dma_wait3A_92 = arith.constant 0 : i32
        %dma_wait3A_93 = tpu.memref_slice %arg3[%add3A, %add3A_88, %dma_wait3A_92] : memref<32x80x125xi32, #tpu.memory_space<hbm>> -> memref<1x1x125xi32, #tpu.memory_space<hbm>>
        %dma_wait3A_94 = tpu.memref_squeeze %dma_wait3A_93 : memref<1x1x125xi32, #tpu.memory_space<hbm>> -> memref<125xi32, #tpu.memory_space<hbm>>
        %dma_wait3A_95 = tpu.memref_slice %arg11[%rem3A_57] : memref<3x!tpu.dma_semaphore, #tpu.memory_space<semaphore_mem>> -> memref<1x!tpu.dma_semaphore, #tpu.memory_space<semaphore_mem>>
        %dma_wait3A_96 = tpu.memref_squeeze %dma_wait3A_95 : memref<1x!tpu.dma_semaphore, #tpu.memory_space<semaphore_mem>> -> memref<!tpu.dma_semaphore, #tpu.memory_space<semaphore_mem>>
        %dma_wait3A_97 = arith.constant 0 : i32
        %dma_wait3A_98 = tpu.memref_slice %arg7[%rem3A_57, %dma_wait3A_97] : memref<3x125xi32, #tpu.memory_space<vmem>> -> memref<1x125xi32, #tpu.memory_space<vmem>>
        %dma_wait3A_99 = tpu.memref_squeeze %dma_wait3A_98 : memref<1x125xi32, #tpu.memory_space<vmem>> -> memref<125xi32, #tpu.memory_space<vmem>>
        %dma_wait3A_100 = arith.constant 0 : i32
        %dma_wait3A_101 = tpu.memref_slice %arg3[%add3A, %add3A_88, %dma_wait3A_100] : memref<32x80x125xi32, #tpu.memory_space<hbm>> -> memref<1x1x125xi32, #tpu.memory_space<hbm>>
        %dma_wait3A_102 = tpu.memref_squeeze %dma_wait3A_101 : memref<1x1x125xi32, #tpu.memory_space<hbm>> -> memref<125xi32, #tpu.memory_space<hbm>>
        tpu.wait_dma2 semaphore(%dma_wait3A_96 : memref<!tpu.dma_semaphore, #tpu.memory_space<semaphore_mem>>) src(%dma_wait3A_102 : memref<125xi32, #tpu.memory_space<hbm>>) dst(%dma_wait3A_99 : memref<125xi32, #tpu.memory_space<vmem>>)
        %dma_start3A_103 = arith.constant 0 : i32
        %dma_start3A_104 = arith.constant 0 : i32
        %dma_start3A_105 = tpu.memref_slice %arg9[%rem3A_53, %dma_start3A_103, %dma_start3A_104] : memref<2x125x128xf32, #tpu.memory_space<vmem>> -> memref<1x125x128xf32, #tpu.memory_space<vmem>>
        %dma_start3A_106 = tpu.memref_squeeze %dma_start3A_105 : memref<1x125x128xf32, #tpu.memory_space<vmem>> -> memref<125x128xf32, #tpu.memory_space<vmem>>
        %dma_start3A_107 = arith.constant 0 : i32
        %dma_start3A_108 = tpu.memref_slice %arg7[%rem3A_57, %dma_start3A_107] : memref<3x125xi32, #tpu.memory_space<vmem>> -> memref<1x125xi32, #tpu.memory_space<vmem>>
        %dma_start3A_109 = tpu.memref_squeeze %dma_start3A_108 : memref<1x125xi32, #tpu.memory_space<vmem>> -> memref<125xi32, #tpu.memory_space<vmem>>
        %dma_start3A_110 = arith.constant 0 : i32
        %dma_start3A_111 = arith.constant 0 : i32
        %dma_start3A_112 = tpu.memref_slice %arg2[%dma_start3A_110, %dma_start3A_111] : memref<10000x128xf32, #tpu.memory_space<hbm>> -> memref<10000x128xf32, #tpu.memory_space<hbm>>
        %dma_start3A_113 = tpu.memref_slice %arg12[%rem3A_53] : memref<2x!tpu.dma_semaphore, #tpu.memory_space<semaphore_mem>> -> memref<1x!tpu.dma_semaphore, #tpu.memory_space<semaphore_mem>>
        %dma_start3A_114 = tpu.memref_squeeze %dma_start3A_113 : memref<1x!tpu.dma_semaphore, #tpu.memory_space<semaphore_mem>> -> memref<!tpu.dma_semaphore, #tpu.memory_space<semaphore_mem>>
        tpu.enqueue_indirect_dma source(%dma_start3A_112 : memref<10000x128xf32, #tpu.memory_space<hbm>>) target(%dma_start3A_106 : memref<125x128xf32, #tpu.memory_space<vmem>>) offsets(%dma_start3A_109 : memref<125xi32, #tpu.memory_space<vmem>>) semaphore(%dma_start3A_114 : memref<!tpu.dma_semaphore, #tpu.memory_space<semaphore_mem>>)
      } else {
      }
      "tpu.region"() ({
        %run_scoped3A_87 = tpu.sem_alloc : memref<!tpu.dma_semaphore, #tpu.memory_space<semaphore_mem>>
        %dma_start3A_88 = arith.constant 0 : i32
        %dma_start3A_89 = arith.constant 0 : i32
        %dma_start3A_90 = tpu.memref_slice %arg9[%rem3A_49, %dma_start3A_88, %dma_start3A_89] : memref<2x125x128xf32, #tpu.memory_space<vmem>> -> memref<1x125x128xf32, #tpu.memory_space<vmem>>
        %dma_start3A_91 = tpu.memref_squeeze %dma_start3A_90 : memref<1x125x128xf32, #tpu.memory_space<vmem>> -> memref<125x128xf32, #tpu.memory_space<vmem>>
        %dma_start3A_92 = arith.constant 0 : i32
        %dma_start3A_93 = tpu.memref_slice %arg8[%scan3A_48, %dma_start3A_92] : memref<80x125xi32, #tpu.memory_space<vmem>> -> memref<1x125xi32, #tpu.memory_space<vmem>>
        %dma_start3A_94 = tpu.memref_squeeze %dma_start3A_93 : memref<1x125xi32, #tpu.memory_space<vmem>> -> memref<125xi32, #tpu.memory_space<vmem>>
        %dma_start3A_95 = arith.constant 0 : i32
        %dma_start3A_96 = arith.constant 0 : i32
        %dma_start3A_97 = tpu.memref_slice %arg10[%dma_start3A_95, %dma_start3A_96] : memref<10240x128xf32, #tpu.memory_space<vmem_shared>> -> memref<10240x128xf32, #tpu.memory_space<vmem_shared>>
        tpu.enqueue_indirect_dma source(%dma_start3A_91 : memref<125x128xf32, #tpu.memory_space<vmem>>) target(%dma_start3A_97 : memref<10240x128xf32, #tpu.memory_space<vmem_shared>>) offsets(%dma_start3A_94 : memref<125xi32, #tpu.memory_space<vmem>>) semaphore(%run_scoped3A_87 : memref<!tpu.dma_semaphore, #tpu.memory_space<semaphore_mem>>) {add = true}
        %dma_wait3A_98 = arith.constant 0 : i32
        %dma_wait3A_99 = arith.constant 0 : i32
        %dma_wait3A_100 = tpu.memref_slice %arg9[%rem3A_49, %dma_wait3A_98, %dma_wait3A_99] : memref<2x125x128xf32, #tpu.memory_space<vmem>> -> memref<1x125x128xf32, #tpu.memory_space<vmem>>
        %dma_wait3A_101 = tpu.memref_squeeze %dma_wait3A_100 : memref<1x125x128xf32, #tpu.memory_space<vmem>> -> memref<125x128xf32, #tpu.memory_space<vmem>>
        %dma_wait3A_102 = arith.constant 0 : i32
        %dma_wait3A_103 = tpu.memref_slice %arg8[%scan3A_48, %dma_wait3A_102] : memref<80x125xi32, #tpu.memory_space<vmem>> -> memref<1x125xi32, #tpu.memory_space<vmem>>
        %dma_wait3A_104 = tpu.memref_squeeze %dma_wait3A_103 : memref<1x125xi32, #tpu.memory_space<vmem>> -> memref<125xi32, #tpu.memory_space<vmem>>
        %dma_wait3A_105 = arith.constant 0 : i32
        %dma_wait3A_106 = arith.constant 0 : i32
        %dma_wait3A_107 = tpu.memref_slice %arg10[%dma_wait3A_105, %dma_wait3A_106] : memref<10240x128xf32, #tpu.memory_space<vmem_shared>> -> memref<10240x128xf32, #tpu.memory_space<vmem_shared>>
        tpu.wait_indirect_dma semaphore(%run_scoped3A_87 : memref<!tpu.dma_semaphore, #tpu.memory_space<semaphore_mem>>) src(%dma_wait3A_101 : memref<125x128xf32, #tpu.memory_space<vmem>>) dst(%dma_wait3A_107 : memref<10240x128xf32, #tpu.memory_space<vmem_shared>>)
        tpu.yield
      }) : () -> ()
    }
    %scan3A_42 = arith.constant 80 : i32
    %barrier3A_43 = arith.constant 0 : index
    tpu.barrier barrier_id(%barrier3A_43)
    %mul3A_44 = arith.constant 640 : i32
    %mul3A_45 = arith.muli %arg1, %mul3A_44 : i32
    %mul3A_46 = arith.constant 640 : i32
    %mul3A_47 = arith.muli %arg1, %mul3A_46 : i32
    "tpu.region"() ({
      %run_scoped3A_48 = tpu.sem_alloc : memref<!tpu.dma_semaphore, #tpu.memory_space<semaphore_mem>>
      %dma_start3A_49 = arith.constant 0 : i32
      %dma_start3A_50 = tpu.memref_slice %arg6[%arg0, %mul3A_47, %dma_start3A_49] : memref<2x10240x128xf32, #tpu.memory_space<hbm>> -> memref<1x640x128xf32, #tpu.memory_space<hbm>>
      %dma_start3A_51 = tpu.memref_squeeze %dma_start3A_50 : memref<1x640x128xf32, #tpu.memory_space<hbm>> -> memref<640x128xf32, #tpu.memory_space<hbm>>
      %dma_start3A_52 = arith.constant 0 : i32
      %dma_start3A_53 = tpu.memref_slice %arg10[%mul3A_45, %dma_start3A_52] : memref<10240x128xf32, #tpu.memory_space<vmem_shared>> -> memref<640x128xf32, #tpu.memory_space<vmem_shared>>
      tpu.enqueue_dma source(%dma_start3A_53 : memref<640x128xf32, #tpu.memory_space<vmem_shared>>) target(%dma_start3A_51 : memref<640x128xf32, #tpu.memory_space<hbm>>) target_semaphore(%run_scoped3A_48 : memref<!tpu.dma_semaphore, #tpu.memory_space<semaphore_mem>>)
      %dma_wait3A_54 = arith.constant 0 : i32
      %dma_wait3A_55 = tpu.memref_slice %arg6[%arg0, %mul3A_47, %dma_wait3A_54] : memref<2x10240x128xf32, #tpu.memory_space<hbm>> -> memref<1x640x128xf32, #tpu.memory_space<hbm>>
      %dma_wait3A_56 = tpu.memref_squeeze %dma_wait3A_55 : memref<1x640x128xf32, #tpu.memory_space<hbm>> -> memref<640x128xf32, #tpu.memory_space<hbm>>
      %dma_wait3A_57 = arith.constant 0 : i32
      %dma_wait3A_58 = tpu.memref_slice %arg10[%mul3A_45, %dma_wait3A_57] : memref<10240x128xf32, #tpu.memory_space<vmem_shared>> -> memref<640x128xf32, #tpu.memory_space<vmem_shared>>
      tpu.wait_dma2 semaphore(%run_scoped3A_48 : memref<!tpu.dma_semaphore, #tpu.memory_space<semaphore_mem>>) src(%dma_wait3A_58 : memref<640x128xf32, #tpu.memory_space<vmem_shared>>) dst(%dma_wait3A_56 : memref<640x128xf32, #tpu.memory_space<hbm>>)
      tpu.yield
    }) : () -> ()
    return
  }
}

#map = affine_map<(d0, d1) -> (0, 0)>
#map1 = affine_map<(d0, d1) -> (0, 0, 0)>
module attributes {stable_mosaic.version = 14 : i64} {
  func.func @_agg_body(%arg0: i32, %arg1: i32, %arg2: memref<10000x128xf32, #tpu.memory_space<hbm>>, %arg3: memref<32x80x125xi32, #tpu.memory_space<hbm>>, %arg4: memref<32x80x125xi32, #tpu.memory_space<hbm>>, %arg5: memref<640x128xf32, #tpu.memory_space<hbm>>, %arg6: memref<2x10240x128xf32, #tpu.memory_space<hbm>>, %arg7: memref<3x125xi32, #tpu.memory_space<vmem>>, %arg8: memref<80x125xi32, #tpu.memory_space<vmem>>, %arg9: memref<2x125x128xf32, #tpu.memory_space<vmem>>, %arg10: memref<10240x128xf32, #tpu.memory_space<vmem_shared>>, %arg11: memref<3x!tpu.dma_semaphore, #tpu.memory_space<semaphore_mem>>, %arg12: memref<2x!tpu.dma_semaphore, #tpu.memory_space<semaphore_mem>>, %arg13: memref<!tpu.dma_semaphore, #tpu.memory_space<semaphore_mem>>) attributes {dimension_semantics = [#tpu.dimension_semantics<core_parallel>, #tpu.dimension_semantics<subcore_parallel>], iteration_bounds = array<i64: 2, 16>, scalar_prefetch = 0 : i64, scratch_operands = 7 : i64, tpu.core_type = #tpu.core_type<sc_vector_subcore>, window_params = [{transform_indices = #map}, {transform_indices = #map1}, {transform_indices = #map1}, {transform_indices = #map}, {transform_indices = #map1}]} {
    %mul3A = arith.constant 16 : i32
    %mul3A_0 = arith.muli %arg0, %mul3A : i32
    %add3A = arith.addi %mul3A_0, %arg1 : i32
    %mul3A_1 = arith.constant 640 : i32
    %mul3A_2 = arith.muli %arg1, %mul3A_1 : i32
    %dma_start3A = arith.constant 0 : i32
    %dma_start3A_3 = tpu.memref_slice %arg10[%mul3A_2, %dma_start3A] : memref<10240x128xf32, #tpu.memory_space<vmem_shared>> -> memref<640x128xf32, #tpu.memory_space<vmem_shared>>
    tpu.enqueue_dma source(%arg5 : memref<640x128xf32, #tpu.memory_space<hbm>>) target(%dma_start3A_3 : memref<640x128xf32, #tpu.memory_space<vmem_shared>>) target_semaphore(%arg13 : memref<!tpu.dma_semaphore, #tpu.memory_space<semaphore_mem>>)
    "tpu.region"() ({
      %run_scoped3A_48 = tpu.sem_alloc : memref<!tpu.dma_semaphore, #tpu.memory_space<semaphore_mem>>
      %dma_start3A_49 = arith.constant 0 : i32
      %dma_start3A_50 = arith.constant 0 : i32
      %dma_start3A_51 = tpu.memref_slice %arg4[%add3A, %dma_start3A_49, %dma_start3A_50] : memref<32x80x125xi32, #tpu.memory_space<hbm>> -> memref<1x80x125xi32, #tpu.memory_space<hbm>>
      %dma_start3A_52 = tpu.memref_squeeze %dma_start3A_51 : memref<1x80x125xi32, #tpu.memory_space<hbm>> -> memref<80x125xi32, #tpu.memory_space<hbm>>
      %dma_start3A_53 = arith.constant 0 : i32
      %dma_start3A_54 = arith.constant 0 : i32
      %dma_start3A_55 = tpu.memref_slice %arg4[%add3A, %dma_start3A_53, %dma_start3A_54] : memref<32x80x125xi32, #tpu.memory_space<hbm>> -> memref<1x80x125xi32, #tpu.memory_space<hbm>>
      %dma_start3A_56 = tpu.memref_squeeze %dma_start3A_55 : memref<1x80x125xi32, #tpu.memory_space<hbm>> -> memref<80x125xi32, #tpu.memory_space<hbm>>
      tpu.enqueue_dma source(%dma_start3A_56 : memref<80x125xi32, #tpu.memory_space<hbm>>) target(%arg8 : memref<80x125xi32, #tpu.memory_space<vmem>>) target_semaphore(%run_scoped3A_48 : memref<!tpu.dma_semaphore, #tpu.memory_space<semaphore_mem>>)
      %dma_wait3A_57 = arith.constant 0 : i32
      %dma_wait3A_58 = arith.constant 0 : i32
      %dma_wait3A_59 = tpu.memref_slice %arg4[%add3A, %dma_wait3A_57, %dma_wait3A_58] : memref<32x80x125xi32, #tpu.memory_space<hbm>> -> memref<1x80x125xi32, #tpu.memory_space<hbm>>
      %dma_wait3A_60 = tpu.memref_squeeze %dma_wait3A_59 : memref<1x80x125xi32, #tpu.memory_space<hbm>> -> memref<80x125xi32, #tpu.memory_space<hbm>>
      %dma_wait3A_61 = arith.constant 0 : i32
      %dma_wait3A_62 = arith.constant 0 : i32
      %dma_wait3A_63 = tpu.memref_slice %arg4[%add3A, %dma_wait3A_61, %dma_wait3A_62] : memref<32x80x125xi32, #tpu.memory_space<hbm>> -> memref<1x80x125xi32, #tpu.memory_space<hbm>>
      %dma_wait3A_64 = tpu.memref_squeeze %dma_wait3A_63 : memref<1x80x125xi32, #tpu.memory_space<hbm>> -> memref<80x125xi32, #tpu.memory_space<hbm>>
      tpu.wait_dma2 semaphore(%run_scoped3A_48 : memref<!tpu.dma_semaphore, #tpu.memory_space<semaphore_mem>>) src(%dma_wait3A_64 : memref<80x125xi32, #tpu.memory_space<hbm>>) dst(%arg8 : memref<80x125xi32, #tpu.memory_space<vmem>>)
      tpu.yield
    }) : () -> ()
    %run_scoped3A = arith.constant 0 : i32
    %run_scoped3A_4 = arith.constant 0 : i32
    "tpu.region"() ({
      %run_scoped3A_48 = tpu.sem_alloc : memref<!tpu.dma_semaphore, #tpu.memory_space<semaphore_mem>>
      %dma_start3A_49 = arith.constant 0 : i32
      %dma_start3A_50 = tpu.memref_slice %arg7[%run_scoped3A_4, %dma_start3A_49] : memref<3x125xi32, #tpu.memory_space<vmem>> -> memref<1x125xi32, #tpu.memory_space<vmem>>
      %dma_start3A_51 = tpu.memref_squeeze %dma_start3A_50 : memref<1x125xi32, #tpu.memory_space<vmem>> -> memref<125xi32, #tpu.memory_space<vmem>>
      %dma_start3A_52 = arith.constant 0 : i32
      %dma_start3A_53 = tpu.memref_slice %arg3[%add3A, %run_scoped3A, %dma_start3A_52] : memref<32x80x125xi32, #tpu.memory_space<hbm>> -> memref<1x1x125xi32, #tpu.memory_space<hbm>>
      %dma_start3A_54 = tpu.memref_squeeze %dma_start3A_53 : memref<1x1x125xi32, #tpu.memory_space<hbm>> -> memref<125xi32, #tpu.memory_space<hbm>>
      %dma_start3A_55 = arith.constant 0 : i32
      %dma_start3A_56 = tpu.memref_slice %arg7[%run_scoped3A_4, %dma_start3A_55] : memref<3x125xi32, #tpu.memory_space<vmem>> -> memref<1x125xi32, #tpu.memory_space<vmem>>
      %dma_start3A_57 = tpu.memref_squeeze %dma_start3A_56 : memref<1x125xi32, #tpu.memory_space<vmem>> -> memref<125xi32, #tpu.memory_space<vmem>>
      %dma_start3A_58 = arith.constant 0 : i32
      %dma_start3A_59 = tpu.memref_slice %arg3[%add3A, %run_scoped3A, %dma_start3A_58] : memref<32x80x125xi32, #tpu.memory_space<hbm>> -> memref<1x1x125xi32, #tpu.memory_space<hbm>>
      %dma_start3A_60 = tpu.memref_squeeze %dma_start3A_59 : memref<1x1x125xi32, #tpu.memory_space<hbm>> -> memref<125xi32, #tpu.memory_space<hbm>>
      tpu.enqueue_dma source(%dma_start3A_60 : memref<125xi32, #tpu.memory_space<hbm>>) target(%dma_start3A_57 : memref<125xi32, #tpu.memory_space<vmem>>) target_semaphore(%run_scoped3A_48 : memref<!tpu.dma_semaphore, #tpu.memory_space<semaphore_mem>>)
      %dma_wait3A_61 = arith.constant 0 : i32
      %dma_wait3A_62 = tpu.memref_slice %arg7[%run_scoped3A_4, %dma_wait3A_61] : memref<3x125xi32, #tpu.memory_space<vmem>> -> memref<1x125xi32, #tpu.memory_space<vmem>>
      %dma_wait3A_63 = tpu.memref_squeeze %dma_wait3A_62 : memref<1x125xi32, #tpu.memory_space<vmem>> -> memref<125xi32, #tpu.memory_space<vmem>>
      %dma_wait3A_64 = arith.constant 0 : i32
      %dma_wait3A_65 = tpu.memref_slice %arg3[%add3A, %run_scoped3A, %dma_wait3A_64] : memref<32x80x125xi32, #tpu.memory_space<hbm>> -> memref<1x1x125xi32, #tpu.memory_space<hbm>>
      %dma_wait3A_66 = tpu.memref_squeeze %dma_wait3A_65 : memref<1x1x125xi32, #tpu.memory_space<hbm>> -> memref<125xi32, #tpu.memory_space<hbm>>
      %dma_wait3A_67 = arith.constant 0 : i32
      %dma_wait3A_68 = tpu.memref_slice %arg7[%run_scoped3A_4, %dma_wait3A_67] : memref<3x125xi32, #tpu.memory_space<vmem>> -> memref<1x125xi32, #tpu.memory_space<vmem>>
      %dma_wait3A_69 = tpu.memref_squeeze %dma_wait3A_68 : memref<1x125xi32, #tpu.memory_space<vmem>> -> memref<125xi32, #tpu.memory_space<vmem>>
      %dma_wait3A_70 = arith.constant 0 : i32
      %dma_wait3A_71 = tpu.memref_slice %arg3[%add3A, %run_scoped3A, %dma_wait3A_70] : memref<32x80x125xi32, #tpu.memory_space<hbm>> -> memref<1x1x125xi32, #tpu.memory_space<hbm>>
      %dma_wait3A_72 = tpu.memref_squeeze %dma_wait3A_71 : memref<1x1x125xi32, #tpu.memory_space<hbm>> -> memref<125xi32, #tpu.memory_space<hbm>>
      tpu.wait_dma2 semaphore(%run_scoped3A_48 : memref<!tpu.dma_semaphore, #tpu.memory_space<semaphore_mem>>) src(%dma_wait3A_72 : memref<125xi32, #tpu.memory_space<hbm>>) dst(%dma_wait3A_69 : memref<125xi32, #tpu.memory_space<vmem>>)
      tpu.yield
    }) : () -> ()
    %dma_start3A_5 = arith.constant 1 : i32
    %dma_start3A_6 = arith.constant 1 : i32
    %dma_start3A_7 = arith.constant 1 : i32
    %dma_start3A_8 = arith.constant 0 : i32
    %dma_start3A_9 = tpu.memref_slice %arg7[%dma_start3A_6, %dma_start3A_8] : memref<3x125xi32, #tpu.memory_space<vmem>> -> memref<1x125xi32, #tpu.memory_space<vmem>>
    %dma_start3A_10 = tpu.memref_squeeze %dma_start3A_9 : memref<1x125xi32, #tpu.memory_space<vmem>> -> memref<125xi32, #tpu.memory_space<vmem>>
    %dma_start3A_11 = arith.constant 0 : i32
    %dma_start3A_12 = tpu.memref_slice %arg3[%add3A, %dma_start3A_5, %dma_start3A_11] : memref<32x80x125xi32, #tpu.memory_space<hbm>> -> memref<1x1x125xi32, #tpu.memory_space<hbm>>
    %dma_start3A_13 = tpu.memref_squeeze %dma_start3A_12 : memref<1x1x125xi32, #tpu.memory_space<hbm>> -> memref<125xi32, #tpu.memory_space<hbm>>
    %dma_start3A_14 = tpu.memref_slice %arg11[%dma_start3A_7] : memref<3x!tpu.dma_semaphore, #tpu.memory_space<semaphore_mem>> -> memref<1x!tpu.dma_semaphore, #tpu.memory_space<semaphore_mem>>
    %dma_start3A_15 = tpu.memref_squeeze %dma_start3A_14 : memref<1x!tpu.dma_semaphore, #tpu.memory_space<semaphore_mem>> -> memref<!tpu.dma_semaphore, #tpu.memory_space<semaphore_mem>>
    %dma_start3A_16 = arith.constant 0 : i32
    %dma_start3A_17 = tpu.memref_slice %arg7[%dma_start3A_6, %dma_start3A_16] : memref<3x125xi32, #tpu.memory_space<vmem>> -> memref<1x125xi32, #tpu.memory_space<vmem>>
    %dma_start3A_18 = tpu.memref_squeeze %dma_start3A_17 : memref<1x125xi32, #tpu.memory_space<vmem>> -> memref<125xi32, #tpu.memory_space<vmem>>
    %dma_start3A_19 = arith.constant 0 : i32
    %dma_start3A_20 = tpu.memref_slice %arg3[%add3A, %dma_start3A_5, %dma_start3A_19] : memref<32x80x125xi32, #tpu.memory_space<hbm>> -> memref<1x1x125xi32, #tpu.memory_space<hbm>>
    %dma_start3A_21 = tpu.memref_squeeze %dma_start3A_20 : memref<1x1x125xi32, #tpu.memory_space<hbm>> -> memref<125xi32, #tpu.memory_space<hbm>>
    tpu.enqueue_dma source(%dma_start3A_21 : memref<125xi32, #tpu.memory_space<hbm>>) target(%dma_start3A_18 : memref<125xi32, #tpu.memory_space<vmem>>) target_semaphore(%dma_start3A_15 : memref<!tpu.dma_semaphore, #tpu.memory_space<semaphore_mem>>)
    %dma_wait3A = arith.constant 0 : i32
    %dma_wait3A_22 = tpu.memref_slice %arg10[%mul3A_2, %dma_wait3A] : memref<10240x128xf32, #tpu.memory_space<vmem_shared>> -> memref<640x128xf32, #tpu.memory_space<vmem_shared>>
    tpu.wait_dma2 semaphore(%arg13 : memref<!tpu.dma_semaphore, #tpu.memory_space<semaphore_mem>>) src(%arg5 : memref<640x128xf32, #tpu.memory_space<hbm>>) dst(%dma_wait3A_22 : memref<640x128xf32, #tpu.memory_space<vmem_shared>>)
    %barrier3A = arith.constant 0 : index
    tpu.barrier barrier_id(%barrier3A)
    %dma_start3A_23 = arith.constant 0 : i32
    %dma_start3A_24 = arith.constant 0 : i32
    %dma_start3A_25 = arith.constant 0 : i32
    %dma_start3A_26 = arith.constant 0 : i32
    %dma_start3A_27 = arith.constant 0 : i32
    %dma_start3A_28 = tpu.memref_slice %arg9[%dma_start3A_24, %dma_start3A_26, %dma_start3A_27] : memref<2x125x128xf32, #tpu.memory_space<vmem>> -> memref<1x125x128xf32, #tpu.memory_space<vmem>>
    %dma_start3A_29 = tpu.memref_squeeze %dma_start3A_28 : memref<1x125x128xf32, #tpu.memory_space<vmem>> -> memref<125x128xf32, #tpu.memory_space<vmem>>
    %dma_start3A_30 = arith.constant 0 : i32
    %dma_start3A_31 = tpu.memref_slice %arg7[%dma_start3A_23, %dma_start3A_30] : memref<3x125xi32, #tpu.memory_space<vmem>> -> memref<1x125xi32, #tpu.memory_space<vmem>>
    %dma_start3A_32 = tpu.memref_squeeze %dma_start3A_31 : memref<1x125xi32, #tpu.memory_space<vmem>> -> memref<125xi32, #tpu.memory_space<vmem>>
    %dma_start3A_33 = arith.constant 0 : i32
    %dma_start3A_34 = arith.constant 0 : i32
    %dma_start3A_35 = tpu.memref_slice %arg2[%dma_start3A_33, %dma_start3A_34] : memref<10000x128xf32, #tpu.memory_space<hbm>> -> memref<10000x128xf32, #tpu.memory_space<hbm>>
    %dma_start3A_36 = tpu.memref_slice %arg12[%dma_start3A_25] : memref<2x!tpu.dma_semaphore, #tpu.memory_space<semaphore_mem>> -> memref<1x!tpu.dma_semaphore, #tpu.memory_space<semaphore_mem>>
    %dma_start3A_37 = tpu.memref_squeeze %dma_start3A_36 : memref<1x!tpu.dma_semaphore, #tpu.memory_space<semaphore_mem>> -> memref<!tpu.dma_semaphore, #tpu.memory_space<semaphore_mem>>
    tpu.enqueue_indirect_dma source(%dma_start3A_35 : memref<10000x128xf32, #tpu.memory_space<hbm>>) target(%dma_start3A_29 : memref<125x128xf32, #tpu.memory_space<vmem>>) offsets(%dma_start3A_32 : memref<125xi32, #tpu.memory_space<vmem>>) semaphore(%dma_start3A_37 : memref<!tpu.dma_semaphore, #tpu.memory_space<semaphore_mem>>)
    %scan3A = arith.constant 0 : i32
    %scan3A_38 = arith.constant 0 : i32
    %scan3A_39 = arith.constant 80 : i32
    %scan3A_40 = arith.addi %scan3A_38, %scan3A_39 : i32
    %scan3A_41 = arith.constant 1 : i32
    scf.for %scan3A_48 = %scan3A_38 to %scan3A_40 step %scan3A_41  : i32 {
      %rem3A = arith.constant 2 : i32
      %rem3A_49 = arith.remsi %scan3A_48, %rem3A : i32
      %add3A_50 = arith.constant 1 : i32
      %add3A_51 = arith.addi %scan3A_48, %add3A_50 : i32
      %rem3A_52 = arith.constant 2 : i32
      %rem3A_53 = arith.remsi %add3A_51, %rem3A_52 : i32
      %add3A_54 = arith.constant 1 : i32
      %add3A_55 = arith.addi %scan3A_48, %add3A_54 : i32
      %rem3A_56 = arith.constant 3 : i32
      %rem3A_57 = arith.remsi %add3A_55, %rem3A_56 : i32
      %add3A_58 = arith.constant 2 : i32
      %add3A_59 = arith.addi %scan3A_48, %add3A_58 : i32
      %rem3A_60 = arith.constant 3 : i32
      %rem3A_61 = arith.remsi %add3A_59, %rem3A_60 : i32
      %add3A_62 = arith.constant 2 : i32
      %add3A_63 = arith.addi %scan3A_48, %add3A_62 : i32
      %lt3A = arith.constant 80 : i32
      %lt3A_64 = arith.cmpi slt, %add3A_63, %lt3A : i32
      %convert_element_type3A = arith.extui %lt3A_64 : i1 to i32
      %cond3A = arith.constant 0 : i32
      %cond3A_65 = arith.cmpi ne, %convert_element_type3A, %cond3A : i32
      scf.if %cond3A_65 {
        %add3A_87 = arith.constant 2 : i32
        %add3A_88 = arith.addi %scan3A_48, %add3A_87 : i32
        %dma_start3A_89 = arith.constant 0 : i32
        %dma_start3A_90 = tpu.memref_slice %arg7[%rem3A_61, %dma_start3A_89] : memref<3x125xi32, #tpu.memory_space<vmem>> -> memref<1x125xi32, #tpu.memory_space<vmem>>
        %dma_start3A_91 = tpu.memref_squeeze %dma_start3A_90 : memref<1x125xi32, #tpu.memory_space<vmem>> -> memref<125xi32, #tpu.memory_space<vmem>>
        %dma_start3A_92 = arith.constant 0 : i32
        %dma_start3A_93 = tpu.memref_slice %arg3[%add3A, %add3A_88, %dma_start3A_92] : memref<32x80x125xi32, #tpu.memory_space<hbm>> -> memref<1x1x125xi32, #tpu.memory_space<hbm>>
        %dma_start3A_94 = tpu.memref_squeeze %dma_start3A_93 : memref<1x1x125xi32, #tpu.memory_space<hbm>> -> memref<125xi32, #tpu.memory_space<hbm>>
        %dma_start3A_95 = tpu.memref_slice %arg11[%rem3A_61] : memref<3x!tpu.dma_semaphore, #tpu.memory_space<semaphore_mem>> -> memref<1x!tpu.dma_semaphore, #tpu.memory_space<semaphore_mem>>
        %dma_start3A_96 = tpu.memref_squeeze %dma_start3A_95 : memref<1x!tpu.dma_semaphore, #tpu.memory_space<semaphore_mem>> -> memref<!tpu.dma_semaphore, #tpu.memory_space<semaphore_mem>>
        %dma_start3A_97 = arith.constant 0 : i32
        %dma_start3A_98 = tpu.memref_slice %arg7[%rem3A_61, %dma_start3A_97] : memref<3x125xi32, #tpu.memory_space<vmem>> -> memref<1x125xi32, #tpu.memory_space<vmem>>
        %dma_start3A_99 = tpu.memref_squeeze %dma_start3A_98 : memref<1x125xi32, #tpu.memory_space<vmem>> -> memref<125xi32, #tpu.memory_space<vmem>>
        %dma_start3A_100 = arith.constant 0 : i32
        %dma_start3A_101 = tpu.memref_slice %arg3[%add3A, %add3A_88, %dma_start3A_100] : memref<32x80x125xi32, #tpu.memory_space<hbm>> -> memref<1x1x125xi32, #tpu.memory_space<hbm>>
        %dma_start3A_102 = tpu.memref_squeeze %dma_start3A_101 : memref<1x1x125xi32, #tpu.memory_space<hbm>> -> memref<125xi32, #tpu.memory_space<hbm>>
        tpu.enqueue_dma source(%dma_start3A_102 : memref<125xi32, #tpu.memory_space<hbm>>) target(%dma_start3A_99 : memref<125xi32, #tpu.memory_space<vmem>>) target_semaphore(%dma_start3A_96 : memref<!tpu.dma_semaphore, #tpu.memory_space<semaphore_mem>>)
      } else {
      }
      %rem3A_66 = arith.constant 3 : i32
      %rem3A_67 = arith.remsi %scan3A_48, %rem3A_66 : i32
      %dma_wait3A_68 = arith.constant 0 : i32
      %dma_wait3A_69 = arith.constant 0 : i32
      %dma_wait3A_70 = tpu.memref_slice %arg9[%rem3A_49, %dma_wait3A_68, %dma_wait3A_69] : memref<2x125x128xf32, #tpu.memory_space<vmem>> -> memref<1x125x128xf32, #tpu.memory_space<vmem>>
      %dma_wait3A_71 = tpu.memref_squeeze %dma_wait3A_70 : memref<1x125x128xf32, #tpu.memory_space<vmem>> -> memref<125x128xf32, #tpu.memory_space<vmem>>
      %dma_wait3A_72 = arith.constant 0 : i32
      %dma_wait3A_73 = tpu.memref_slice %arg7[%rem3A_67, %dma_wait3A_72] : memref<3x125xi32, #tpu.memory_space<vmem>> -> memref<1x125xi32, #tpu.memory_space<vmem>>
      %dma_wait3A_74 = tpu.memref_squeeze %dma_wait3A_73 : memref<1x125xi32, #tpu.memory_space<vmem>> -> memref<125xi32, #tpu.memory_space<vmem>>
      %dma_wait3A_75 = arith.constant 0 : i32
      %dma_wait3A_76 = arith.constant 0 : i32
      %dma_wait3A_77 = tpu.memref_slice %arg2[%dma_wait3A_75, %dma_wait3A_76] : memref<10000x128xf32, #tpu.memory_space<hbm>> -> memref<10000x128xf32, #tpu.memory_space<hbm>>
      %dma_wait3A_78 = tpu.memref_slice %arg12[%rem3A_49] : memref<2x!tpu.dma_semaphore, #tpu.memory_space<semaphore_mem>> -> memref<1x!tpu.dma_semaphore, #tpu.memory_space<semaphore_mem>>
      %dma_wait3A_79 = tpu.memref_squeeze %dma_wait3A_78 : memref<1x!tpu.dma_semaphore, #tpu.memory_space<semaphore_mem>> -> memref<!tpu.dma_semaphore, #tpu.memory_space<semaphore_mem>>
      tpu.wait_indirect_dma semaphore(%dma_wait3A_79 : memref<!tpu.dma_semaphore, #tpu.memory_space<semaphore_mem>>) src(%dma_wait3A_77 : memref<10000x128xf32, #tpu.memory_space<hbm>>) dst(%dma_wait3A_71 : memref<125x128xf32, #tpu.memory_space<vmem>>)
      %add3A_80 = arith.constant 1 : i32
      %add3A_81 = arith.addi %scan3A_48, %add3A_80 : i32
      %lt3A_82 = arith.constant 80 : i32
      %lt3A_83 = arith.cmpi slt, %add3A_81, %lt3A_82 : i32
      %convert_element_type3A_84 = arith.extui %lt3A_83 : i1 to i32
      %cond3A_85 = arith.constant 0 : i32
      %cond3A_86 = arith.cmpi ne, %convert_element_type3A_84, %cond3A_85 : i32
      scf.if %cond3A_86 {
        %add3A_87 = arith.constant 1 : i32
        %add3A_88 = arith.addi %scan3A_48, %add3A_87 : i32
        %dma_wait3A_89 = arith.constant 0 : i32
        %dma_wait3A_90 = tpu.memref_slice %arg7[%rem3A_57, %dma_wait3A_89] : memref<3x125xi32, #tpu.memory_space<vmem>> -> memref<1x125xi32, #tpu.memory_space<vmem>>
        %dma_wait3A_91 = tpu.memref_squeeze %dma_wait3A_90 : memref<1x125xi32, #tpu.memory_space<vmem>> -> memref<125xi32, #tpu.memory_space<vmem>>
        %dma_wait3A_92 = arith.constant 0 : i32
        %dma_wait3A_93 = tpu.memref_slice %arg3[%add3A, %add3A_88, %dma_wait3A_92] : memref<32x80x125xi32, #tpu.memory_space<hbm>> -> memref<1x1x125xi32, #tpu.memory_space<hbm>>
        %dma_wait3A_94 = tpu.memref_squeeze %dma_wait3A_93 : memref<1x1x125xi32, #tpu.memory_space<hbm>> -> memref<125xi32, #tpu.memory_space<hbm>>
        %dma_wait3A_95 = tpu.memref_slice %arg11[%rem3A_57] : memref<3x!tpu.dma_semaphore, #tpu.memory_space<semaphore_mem>> -> memref<1x!tpu.dma_semaphore, #tpu.memory_space<semaphore_mem>>
        %dma_wait3A_96 = tpu.memref_squeeze %dma_wait3A_95 : memref<1x!tpu.dma_semaphore, #tpu.memory_space<semaphore_mem>> -> memref<!tpu.dma_semaphore, #tpu.memory_space<semaphore_mem>>
        %dma_wait3A_97 = arith.constant 0 : i32
        %dma_wait3A_98 = tpu.memref_slice %arg7[%rem3A_57, %dma_wait3A_97] : memref<3x125xi32, #tpu.memory_space<vmem>> -> memref<1x125xi32, #tpu.memory_space<vmem>>
        %dma_wait3A_99 = tpu.memref_squeeze %dma_wait3A_98 : memref<1x125xi32, #tpu.memory_space<vmem>> -> memref<125xi32, #tpu.memory_space<vmem>>
        %dma_wait3A_100 = arith.constant 0 : i32
        %dma_wait3A_101 = tpu.memref_slice %arg3[%add3A, %add3A_88, %dma_wait3A_100] : memref<32x80x125xi32, #tpu.memory_space<hbm>> -> memref<1x1x125xi32, #tpu.memory_space<hbm>>
        %dma_wait3A_102 = tpu.memref_squeeze %dma_wait3A_101 : memref<1x1x125xi32, #tpu.memory_space<hbm>> -> memref<125xi32, #tpu.memory_space<hbm>>
        tpu.wait_dma2 semaphore(%dma_wait3A_96 : memref<!tpu.dma_semaphore, #tpu.memory_space<semaphore_mem>>) src(%dma_wait3A_102 : memref<125xi32, #tpu.memory_space<hbm>>) dst(%dma_wait3A_99 : memref<125xi32, #tpu.memory_space<vmem>>)
        %dma_start3A_103 = arith.constant 0 : i32
        %dma_start3A_104 = arith.constant 0 : i32
        %dma_start3A_105 = tpu.memref_slice %arg9[%rem3A_53, %dma_start3A_103, %dma_start3A_104] : memref<2x125x128xf32, #tpu.memory_space<vmem>> -> memref<1x125x128xf32, #tpu.memory_space<vmem>>
        %dma_start3A_106 = tpu.memref_squeeze %dma_start3A_105 : memref<1x125x128xf32, #tpu.memory_space<vmem>> -> memref<125x128xf32, #tpu.memory_space<vmem>>
        %dma_start3A_107 = arith.constant 0 : i32
        %dma_start3A_108 = tpu.memref_slice %arg7[%rem3A_57, %dma_start3A_107] : memref<3x125xi32, #tpu.memory_space<vmem>> -> memref<1x125xi32, #tpu.memory_space<vmem>>
        %dma_start3A_109 = tpu.memref_squeeze %dma_start3A_108 : memref<1x125xi32, #tpu.memory_space<vmem>> -> memref<125xi32, #tpu.memory_space<vmem>>
        %dma_start3A_110 = arith.constant 0 : i32
        %dma_start3A_111 = arith.constant 0 : i32
        %dma_start3A_112 = tpu.memref_slice %arg2[%dma_start3A_110, %dma_start3A_111] : memref<10000x128xf32, #tpu.memory_space<hbm>> -> memref<10000x128xf32, #tpu.memory_space<hbm>>
        %dma_start3A_113 = tpu.memref_slice %arg12[%rem3A_53] : memref<2x!tpu.dma_semaphore, #tpu.memory_space<semaphore_mem>> -> memref<1x!tpu.dma_semaphore, #tpu.memory_space<semaphore_mem>>
        %dma_start3A_114 = tpu.memref_squeeze %dma_start3A_113 : memref<1x!tpu.dma_semaphore, #tpu.memory_space<semaphore_mem>> -> memref<!tpu.dma_semaphore, #tpu.memory_space<semaphore_mem>>
        tpu.enqueue_indirect_dma source(%dma_start3A_112 : memref<10000x128xf32, #tpu.memory_space<hbm>>) target(%dma_start3A_106 : memref<125x128xf32, #tpu.memory_space<vmem>>) offsets(%dma_start3A_109 : memref<125xi32, #tpu.memory_space<vmem>>) semaphore(%dma_start3A_114 : memref<!tpu.dma_semaphore, #tpu.memory_space<semaphore_mem>>)
      } else {
      }
      "tpu.region"() ({
        %run_scoped3A_87 = tpu.sem_alloc : memref<!tpu.dma_semaphore, #tpu.memory_space<semaphore_mem>>
        %dma_start3A_88 = arith.constant 0 : i32
        %dma_start3A_89 = arith.constant 0 : i32
        %dma_start3A_90 = tpu.memref_slice %arg9[%rem3A_49, %dma_start3A_88, %dma_start3A_89] : memref<2x125x128xf32, #tpu.memory_space<vmem>> -> memref<1x125x128xf32, #tpu.memory_space<vmem>>
        %dma_start3A_91 = tpu.memref_squeeze %dma_start3A_90 : memref<1x125x128xf32, #tpu.memory_space<vmem>> -> memref<125x128xf32, #tpu.memory_space<vmem>>
        %dma_start3A_92 = arith.constant 0 : i32
        %dma_start3A_93 = tpu.memref_slice %arg8[%scan3A_48, %dma_start3A_92] : memref<80x125xi32, #tpu.memory_space<vmem>> -> memref<1x125xi32, #tpu.memory_space<vmem>>
        %dma_start3A_94 = tpu.memref_squeeze %dma_start3A_93 : memref<1x125xi32, #tpu.memory_space<vmem>> -> memref<125xi32, #tpu.memory_space<vmem>>
        %dma_start3A_95 = arith.constant 0 : i32
        %dma_start3A_96 = arith.constant 0 : i32
        %dma_start3A_97 = tpu.memref_slice %arg10[%dma_start3A_95, %dma_start3A_96] : memref<10240x128xf32, #tpu.memory_space<vmem_shared>> -> memref<10240x128xf32, #tpu.memory_space<vmem_shared>>
        tpu.enqueue_indirect_dma source(%dma_start3A_91 : memref<125x128xf32, #tpu.memory_space<vmem>>) target(%dma_start3A_97 : memref<10240x128xf32, #tpu.memory_space<vmem_shared>>) offsets(%dma_start3A_94 : memref<125xi32, #tpu.memory_space<vmem>>) semaphore(%run_scoped3A_87 : memref<!tpu.dma_semaphore, #tpu.memory_space<semaphore_mem>>) {add = true}
        %dma_wait3A_98 = arith.constant 0 : i32
        %dma_wait3A_99 = arith.constant 0 : i32
        %dma_wait3A_100 = tpu.memref_slice %arg9[%rem3A_49, %dma_wait3A_98, %dma_wait3A_99] : memref<2x125x128xf32, #tpu.memory_space<vmem>> -> memref<1x125x128xf32, #tpu.memory_space<vmem>>
        %dma_wait3A_101 = tpu.memref_squeeze %dma_wait3A_100 : memref<1x125x128xf32, #tpu.memory_space<vmem>> -> memref<125x128xf32, #tpu.memory_space<vmem>>
        %dma_wait3A_102 = arith.constant 0 : i32
        %dma_wait3A_103 = tpu.memref_slice %arg8[%scan3A_48, %dma_wait3A_102] : memref<80x125xi32, #tpu.memory_space<vmem>> -> memref<1x125xi32, #tpu.memory_space<vmem>>
        %dma_wait3A_104 = tpu.memref_squeeze %dma_wait3A_103 : memref<1x125xi32, #tpu.memory_space<vmem>> -> memref<125xi32, #tpu.memory_space<vmem>>
        %dma_wait3A_105 = arith.constant 0 : i32
        %dma_wait3A_106 = arith.constant 0 : i32
        %dma_wait3A_107 = tpu.memref_slice %arg10[%dma_wait3A_105, %dma_wait3A_106] : memref<10240x128xf32, #tpu.memory_space<vmem_shared>> -> memref<10240x128xf32, #tpu.memory_space<vmem_shared>>
        tpu.wait_indirect_dma semaphore(%run_scoped3A_87 : memref<!tpu.dma_semaphore, #tpu.memory_space<semaphore_mem>>) src(%dma_wait3A_101 : memref<125x128xf32, #tpu.memory_space<vmem>>) dst(%dma_wait3A_107 : memref<10240x128xf32, #tpu.memory_space<vmem_shared>>)
        tpu.yield
      }) : () -> ()
    }
    %scan3A_42 = arith.constant 80 : i32
    %barrier3A_43 = arith.constant 0 : index
    tpu.barrier barrier_id(%barrier3A_43)
    %mul3A_44 = arith.constant 640 : i32
    %mul3A_45 = arith.muli %arg1, %mul3A_44 : i32
    %mul3A_46 = arith.constant 640 : i32
    %mul3A_47 = arith.muli %arg1, %mul3A_46 : i32
    "tpu.region"() ({
      %run_scoped3A_48 = tpu.sem_alloc : memref<!tpu.dma_semaphore, #tpu.memory_space<semaphore_mem>>
      %dma_start3A_49 = arith.constant 0 : i32
      %dma_start3A_50 = tpu.memref_slice %arg6[%arg0, %mul3A_47, %dma_start3A_49] : memref<2x10240x128xf32, #tpu.memory_space<hbm>> -> memref<1x640x128xf32, #tpu.memory_space<hbm>>
      %dma_start3A_51 = tpu.memref_squeeze %dma_start3A_50 : memref<1x640x128xf32, #tpu.memory_space<hbm>> -> memref<640x128xf32, #tpu.memory_space<hbm>>
      %dma_start3A_52 = arith.constant 0 : i32
      %dma_start3A_53 = tpu.memref_slice %arg10[%mul3A_45, %dma_start3A_52] : memref<10240x128xf32, #tpu.memory_space<vmem_shared>> -> memref<640x128xf32, #tpu.memory_space<vmem_shared>>
      tpu.enqueue_dma source(%dma_start3A_53 : memref<640x128xf32, #tpu.memory_space<vmem_shared>>) target(%dma_start3A_51 : memref<640x128xf32, #tpu.memory_space<hbm>>) target_semaphore(%run_scoped3A_48 : memref<!tpu.dma_semaphore, #tpu.memory_space<semaphore_mem>>)
      %dma_wait3A_54 = arith.constant 0 : i32
      %dma_wait3A_55 = tpu.memref_slice %arg6[%arg0, %mul3A_47, %dma_wait3A_54] : memref<2x10240x128xf32, #tpu.memory_space<hbm>> -> memref<1x640x128xf32, #tpu.memory_space<hbm>>
      %dma_wait3A_56 = tpu.memref_squeeze %dma_wait3A_55 : memref<1x640x128xf32, #tpu.memory_space<hbm>> -> memref<640x128xf32, #tpu.memory_space<hbm>>
      %dma_wait3A_57 = arith.constant 0 : i32
      %dma_wait3A_58 = tpu.memref_slice %arg10[%mul3A_45, %dma_wait3A_57] : memref<10240x128xf32, #tpu.memory_space<vmem_shared>> -> memref<640x128xf32, #tpu.memory_space<vmem_shared>>
      tpu.wait_dma2 semaphore(%run_scoped3A_48 : memref<!tpu.dma_semaphore, #tpu.memory_space<semaphore_mem>>) src(%dma_wait3A_58 : memref<640x128xf32, #tpu.memory_space<vmem_shared>>) dst(%dma_wait3A_56 : memref<640x128xf32, #tpu.memory_space<hbm>>)
      tpu.yield
    }) : () -> ()
    return
  }
}

module attributes {stable_mosaic.version = 14 : i64} {
  func.func @_dinv_body(%arg0: i32, %arg1: memref<32x80x128xf32, #tpu.memory_space<vmem>>, %arg2: memref<80x128xf32, #tpu.memory_space<vmem>>) attributes {dimension_semantics = [#tpu.dimension_semantics<arbitrary>], iteration_bounds = array<i64: 1>, scalar_prefetch = 0 : i64, scratch_operands = 0 : i64, tpu.core_type = #tpu.core_type<tc>, window_params = [{pipeline_mode = #tpu.pipeline_mode<synchronous>, transform_indices = @transform_0, window_bounds = array<i64: 32, 80, 128>}, {pipeline_mode = #tpu.pipeline_mode<synchronous>, transform_indices = @transform_1, window_bounds = array<i64: 80, 128>}]} {
    %get3A = arith.constant 0 : index
    %get3A_0 = arith.constant 0 : index
    %get3A_1 = arith.constant 0 : index
    %get3A_2 = vector.load %arg1[%get3A, %get3A_0, %get3A_1] : memref<32x80x128xf32, #tpu.memory_space<vmem>>, vector<32x80x128xf32>
    %reduce_sum3A = arith.constant dense<0.000000e+00> : vector<80x128xf32>
    %reduce_sum3A_3 = vector.multi_reduction <add>, %get3A_2, %reduce_sum3A [0] : vector<32x80x128xf32> to vector<80x128xf32>
    %add3A = arith.constant 1.000000e+00 : f32
    %add3A_4 = vector.broadcast %add3A : f32 to vector<80x128xf32>
    %add3A_5 = arith.addf %reduce_sum3A_3, %add3A_4 : vector<80x128xf32>
    %rsqrt3A = math.rsqrt %add3A_5 : vector<80x128xf32>
    %swap3A = arith.constant 0 : index
    %swap3A_6 = arith.constant 0 : index
    %swap3A_7 = vector.load %arg2[%swap3A, %swap3A_6] : memref<80x128xf32, #tpu.memory_space<vmem>>, vector<80x128xf32>
    tpu.vector_store %arg2[%swap3A, %swap3A_6], %rsqrt3A {strides = array<i32>} : memref<80x128xf32, #tpu.memory_space<vmem>>, vector<80x128xf32>,
    return
  }
  func.func @transform_0(%arg0: i32) -> (i32, i32, i32) {
    %c0_i32 = arith.constant 0 : i32
    %c0_i32_0 = arith.constant 0 : i32
    %c0_i32_1 = arith.constant 0 : i32
    %c0_i32_2 = arith.constant 0 : i32
    return %c0_i32, %c0_i32_0, %c0_i32_1 : i32, i32, i32
  }
  func.func @transform_1(%arg0: i32) -> (i32, i32) {
    %c0_i32 = arith.constant 0 : i32
    %c0_i32_0 = arith.constant 0 : i32
    %c0_i32_1 = arith.constant 0 : i32
    return %c0_i32, %c0_i32_0 : i32, i32
  }
}

module attributes {stable_mosaic.version = 14 : i64} {
  func.func @_mm_scale_body(%arg0: i32, %arg1: memref<1000x128xf32, #tpu.memory_space<vmem>>, %arg2: memref<128x128xf32, #tpu.memory_space<vmem>>, %arg3: memref<1000x1xf32, #tpu.memory_space<vmem>>, %arg4: memref<1000x128xf32, #tpu.memory_space<vmem>>) attributes {dimension_semantics = [#tpu.dimension_semantics<arbitrary>], iteration_bounds = array<i64: 10>, scalar_prefetch = 0 : i64, scratch_operands = 0 : i64, tpu.core_type = #tpu.core_type<tc>, window_params = [{transform_indices = @transform_0, window_bounds = array<i64: 1000, 128>}, {pipeline_mode = #tpu.pipeline_mode<synchronous>, transform_indices = @transform_1, window_bounds = array<i64: 128, 128>}, {transform_indices = @transform_2, window_bounds = array<i64: 1000, 1>}, {transform_indices = @transform_3, window_bounds = array<i64: 1000, 128>}]} {
    %get3A = arith.constant 0 : index
    %get3A_0 = arith.constant 0 : index
    %get3A_1 = vector.load %arg1[%get3A, %get3A_0] : memref<1000x128xf32, #tpu.memory_space<vmem>>, vector<1000x128xf32>
    %get3A_2 = arith.constant 0 : index
    %get3A_3 = arith.constant 0 : index
    %get3A_4 = vector.load %arg2[%get3A_2, %get3A_3] : memref<128x128xf32, #tpu.memory_space<vmem>>, vector<128x128xf32>
    %dot_general3A = arith.constant dense<0.000000e+00> : vector<1000x128xf32>
    %dot_general3A_5 = tpu.matmul %get3A_1, %get3A_4, %dot_general3A {dimension_numbers = #tpu.dot_dimension_numbers<[1], [0], [0], [1], [0, 0, 1, 1], [], []>, precision = #tpu.contract_precision<fp32>, transpose_lhs_hint = false} : vector<1000x128xf32>, vector<128x128xf32>, vector<1000x128xf32> -> vector<1000x128xf32>
    %get3A_6 = arith.constant 0 : index
    %get3A_7 = arith.constant 0 : index
    %get3A_8 = vector.load %arg3[%get3A_6, %get3A_7] : memref<1000x1xf32, #tpu.memory_space<vmem>>, vector<1000x1xf32>
    %mul3A = vector.broadcast %get3A_8 : vector<1000x1xf32> to vector<1000x128xf32>
    %mul3A_9 = arith.mulf %dot_general3A_5, %mul3A : vector<1000x128xf32>
    %swap3A = arith.constant 0 : index
    %swap3A_10 = arith.constant 0 : index
    %swap3A_11 = vector.load %arg4[%swap3A, %swap3A_10] : memref<1000x128xf32, #tpu.memory_space<vmem>>, vector<1000x128xf32>
    tpu.vector_store %arg4[%swap3A, %swap3A_10], %mul3A_9 {strides = array<i32>} : memref<1000x128xf32, #tpu.memory_space<vmem>>, vector<1000x128xf32>,
    return
  }
  func.func @transform_0(%arg0: i32) -> (i32, i32) {
    %c0_i32 = arith.constant 0 : i32
    %c0_i32_0 = arith.constant 0 : i32
    return %arg0, %c0_i32 : i32, i32
  }
  func.func @transform_1(%arg0: i32) -> (i32, i32) {
    %c0_i32 = arith.constant 0 : i32
    %c0_i32_0 = arith.constant 0 : i32
    %c0_i32_1 = arith.constant 0 : i32
    return %c0_i32, %c0_i32_0 : i32, i32
  }
  func.func @transform_2(%arg0: i32) -> (i32, i32) {
    %c0_i32 = arith.constant 0 : i32
    %c0_i32_0 = arith.constant 0 : i32
    return %arg0, %c0_i32 : i32, i32
  }
  func.func @transform_3(%arg0: i32) -> (i32, i32) {
    %c0_i32 = arith.constant 0 : i32
    %c0_i32_0 = arith.constant 0 : i32
    return %arg0, %c0_i32 : i32, i32
  }
}

module attributes {stable_mosaic.version = 14 : i64} {
  func.func @_layer2_body(%arg0: i32, %arg1: memref<1x1000x128xf32, #tpu.memory_space<vmem>>, %arg2: memref<1x1000x128xf32, #tpu.memory_space<vmem>>, %arg3: memref<1000x128xf32, #tpu.memory_space<vmem>>, %arg4: memref<1000x1xf32, #tpu.memory_space<vmem>>, %arg5: memref<1x128xf32, #tpu.memory_space<vmem>>, %arg6: memref<128x128xf32, #tpu.memory_space<vmem>>, %arg7: memref<1000x128xf32, #tpu.memory_space<vmem>>) attributes {dimension_semantics = [#tpu.dimension_semantics<arbitrary>], iteration_bounds = array<i64: 10>, scalar_prefetch = 0 : i64, scratch_operands = 0 : i64, tpu.core_type = #tpu.core_type<tc>, window_params = [{transform_indices = @transform_0, window_bounds = array<i64: 1, 1000, 128>}, {transform_indices = @transform_1, window_bounds = array<i64: 1, 1000, 128>}, {transform_indices = @transform_2, window_bounds = array<i64: 1000, 128>}, {transform_indices = @transform_3, window_bounds = array<i64: 1000, 1>}, {pipeline_mode = #tpu.pipeline_mode<synchronous>, transform_indices = @transform_4, window_bounds = array<i64: 1, 128>}, {pipeline_mode = #tpu.pipeline_mode<synchronous>, transform_indices = @transform_5, window_bounds = array<i64: 128, 128>}, {transform_indices = @transform_6, window_bounds = array<i64: 1000, 128>}]} {
    %get3A = arith.constant 0 : index
    %get3A_0 = arith.constant 0 : index
    %get3A_1 = vector.load %arg4[%get3A, %get3A_0] : memref<1000x1xf32, #tpu.memory_space<vmem>>, vector<1000x1xf32>
    %get3A_2 = arith.constant 0 : index
    %get3A_3 = arith.constant 0 : index
    %get3A_4 = arith.constant 0 : index
    %get3A_5 = vector.load %arg1[%get3A_2, %get3A_3, %get3A_4] : memref<1x1000x128xf32, #tpu.memory_space<vmem>>, vector<1x1000x128xf32>
    %get3A_6 = vector.shape_cast %get3A_5 : vector<1x1000x128xf32> to vector<1000x128xf32>
    %get3A_7 = arith.constant 0 : index
    %get3A_8 = arith.constant 0 : index
    %get3A_9 = arith.constant 0 : index
    %get3A_10 = vector.load %arg2[%get3A_7, %get3A_8, %get3A_9] : memref<1x1000x128xf32, #tpu.memory_space<vmem>>, vector<1x1000x128xf32>
    %get3A_11 = vector.shape_cast %get3A_10 : vector<1x1000x128xf32> to vector<1000x128xf32>
    %add3A = arith.addf %get3A_6, %get3A_11 : vector<1000x128xf32>
    %get3A_12 = arith.constant 0 : index
    %get3A_13 = arith.constant 0 : index
    %get3A_14 = vector.load %arg3[%get3A_12, %get3A_13] : memref<1000x128xf32, #tpu.memory_space<vmem>>, vector<1000x128xf32>
    %add3A_15 = arith.addf %add3A, %get3A_14 : vector<1000x128xf32>
    %mul3A = vector.broadcast %get3A_1 : vector<1000x1xf32> to vector<1000x128xf32>
    %mul3A_16 = arith.mulf %add3A_15, %mul3A : vector<1000x128xf32>
    %get3A_17 = arith.constant 0 : index
    %get3A_18 = arith.constant 0 : index
    %get3A_19 = vector.load %arg5[%get3A_17, %get3A_18] : memref<1x128xf32, #tpu.memory_space<vmem>>, vector<1x128xf32>
    %add3A_20 = vector.broadcast %get3A_19 : vector<1x128xf32> to vector<1000x128xf32>
    %add3A_21 = arith.addf %mul3A_16, %add3A_20 : vector<1000x128xf32>
    %max3A = arith.constant 0.000000e+00 : f32
    %max3A_22 = vector.broadcast %max3A : f32 to vector<1000x128xf32>
    %max3A_23 = arith.maximumf %add3A_21, %max3A_22 : vector<1000x128xf32>
    %get3A_24 = arith.constant 0 : index
    %get3A_25 = arith.constant 0 : index
    %get3A_26 = vector.load %arg6[%get3A_24, %get3A_25] : memref<128x128xf32, #tpu.memory_space<vmem>>, vector<128x128xf32>
    %dot_general3A = arith.constant dense<0.000000e+00> : vector<1000x128xf32>
    %dot_general3A_27 = tpu.matmul %max3A_23, %get3A_26, %dot_general3A {dimension_numbers = #tpu.dot_dimension_numbers<[1], [0], [0], [1], [0, 0, 1, 1], [], []>, precision = #tpu.contract_precision<fp32>, transpose_lhs_hint = false} : vector<1000x128xf32>, vector<128x128xf32>, vector<1000x128xf32> -> vector<1000x128xf32>
    %mul3A_28 = vector.broadcast %get3A_1 : vector<1000x1xf32> to vector<1000x128xf32>
    %mul3A_29 = arith.mulf %dot_general3A_27, %mul3A_28 : vector<1000x128xf32>
    %swap3A = arith.constant 0 : index
    %swap3A_30 = arith.constant 0 : index
    %swap3A_31 = vector.load %arg7[%swap3A, %swap3A_30] : memref<1000x128xf32, #tpu.memory_space<vmem>>, vector<1000x128xf32>
    tpu.vector_store %arg7[%swap3A, %swap3A_30], %mul3A_29 {strides = array<i32>} : memref<1000x128xf32, #tpu.memory_space<vmem>>, vector<1000x128xf32>,
    return
  }
  func.func @transform_0(%arg0: i32) -> (i32, i32, i32) {
    %c0_i32 = arith.constant 0 : i32
    %c0_i32_0 = arith.constant 0 : i32
    %c0_i32_1 = arith.constant 0 : i32
    return %c0_i32, %arg0, %c0_i32_0 : i32, i32, i32
  }
  func.func @transform_1(%arg0: i32) -> (i32, i32, i32) {
    %c1_i32 = arith.constant 1 : i32
    %c0_i32 = arith.constant 0 : i32
    %c0_i32_0 = arith.constant 0 : i32
    return %c1_i32, %arg0, %c0_i32 : i32, i32, i32
  }
  func.func @transform_2(%arg0: i32) -> (i32, i32) {
    %c0_i32 = arith.constant 0 : i32
    %c0_i32_0 = arith.constant 0 : i32
    return %arg0, %c0_i32 : i32, i32
  }
  func.func @transform_3(%arg0: i32) -> (i32, i32) {
    %c0_i32 = arith.constant 0 : i32
    %c0_i32_0 = arith.constant 0 : i32
    return %arg0, %c0_i32 : i32, i32
  }
  func.func @transform_4(%arg0: i32) -> (i32, i32) {
    %c0_i32 = arith.constant 0 : i32
    %c0_i32_0 = arith.constant 0 : i32
    %c0_i32_1 = arith.constant 0 : i32
    return %c0_i32, %c0_i32_0 : i32, i32
  }
  func.func @transform_5(%arg0: i32) -> (i32, i32) {
    %c0_i32 = arith.constant 0 : i32
    %c0_i32_0 = arith.constant 0 : i32
    %c0_i32_1 = arith.constant 0 : i32
    return %c0_i32, %c0_i32_0 : i32, i32
  }
  func.func @transform_6(%arg0: i32) -> (i32, i32) {
    %c0_i32 = arith.constant 0 : i32
    %c0_i32_0 = arith.constant 0 : i32
    return %arg0, %c0_i32 : i32, i32
  }
}

module attributes {stable_mosaic.version = 14 : i64} {
  func.func @_final_body(%arg0: i32, %arg1: memref<1x1000x128xf32, #tpu.memory_space<vmem>>, %arg2: memref<1x1000x128xf32, #tpu.memory_space<vmem>>, %arg3: memref<1000x128xf32, #tpu.memory_space<vmem>>, %arg4: memref<1000x1xf32, #tpu.memory_space<vmem>>, %arg5: memref<1x128xf32, #tpu.memory_space<vmem>>, %arg6: memref<128x10xf32, #tpu.memory_space<vmem>>, %arg7: memref<1x10xf32, #tpu.memory_space<vmem>>, %arg8: memref<1000x10xf32, #tpu.memory_space<vmem>>) attributes {dimension_semantics = [#tpu.dimension_semantics<arbitrary>], iteration_bounds = array<i64: 10>, scalar_prefetch = 0 : i64, scratch_operands = 0 : i64, tpu.core_type = #tpu.core_type<tc>, window_params = [{transform_indices = @transform_0, window_bounds = array<i64: 1, 1000, 128>}, {transform_indices = @transform_1, window_bounds = array<i64: 1, 1000, 128>}, {transform_indices = @transform_2, window_bounds = array<i64: 1000, 128>}, {transform_indices = @transform_3, window_bounds = array<i64: 1000, 1>}, {pipeline_mode = #tpu.pipeline_mode<synchronous>, transform_indices = @transform_4, window_bounds = array<i64: 1, 128>}, {pipeline_mode = #tpu.pipeline_mode<synchronous>, transform_indices = @transform_5, window_bounds = array<i64: 128, 10>}, {pipeline_mode = #tpu.pipeline_mode<synchronous>, transform_indices = @transform_6, window_bounds = array<i64: 1, 10>}, {transform_indices = @transform_7, window_bounds = array<i64: 1000, 10>}]} {
    %get3A = arith.constant 0 : index
    %get3A_0 = arith.constant 0 : index
    %get3A_1 = arith.constant 0 : index
    %get3A_2 = vector.load %arg1[%get3A, %get3A_0, %get3A_1] : memref<1x1000x128xf32, #tpu.memory_space<vmem>>, vector<1x1000x128xf32>
    %get3A_3 = vector.shape_cast %get3A_2 : vector<1x1000x128xf32> to vector<1000x128xf32>
    %get3A_4 = arith.constant 0 : index
    %get3A_5 = arith.constant 0 : index
    %get3A_6 = arith.constant 0 : index
    %get3A_7 = vector.load %arg2[%get3A_4, %get3A_5, %get3A_6] : memref<1x1000x128xf32, #tpu.memory_space<vmem>>, vector<1x1000x128xf32>
    %get3A_8 = vector.shape_cast %get3A_7 : vector<1x1000x128xf32> to vector<1000x128xf32>
    %add3A = arith.addf %get3A_3, %get3A_8 : vector<1000x128xf32>
    %get3A_9 = arith.constant 0 : index
    %get3A_10 = arith.constant 0 : index
    %get3A_11 = vector.load %arg3[%get3A_9, %get3A_10] : memref<1000x128xf32, #tpu.memory_space<vmem>>, vector<1000x128xf32>
    %add3A_12 = arith.addf %add3A, %get3A_11 : vector<1000x128xf32>
    %get3A_13 = arith.constant 0 : index
    %get3A_14 = arith.constant 0 : index
    %get3A_15 = vector.load %arg4[%get3A_13, %get3A_14] : memref<1000x1xf32, #tpu.memory_space<vmem>>, vector<1000x1xf32>
    %mul3A = vector.broadcast %get3A_15 : vector<1000x1xf32> to vector<1000x128xf32>
    %mul3A_16 = arith.mulf %add3A_12, %mul3A : vector<1000x128xf32>
    %get3A_17 = arith.constant 0 : index
    %get3A_18 = arith.constant 0 : index
    %get3A_19 = vector.load %arg5[%get3A_17, %get3A_18] : memref<1x128xf32, #tpu.memory_space<vmem>>, vector<1x128xf32>
    %add3A_20 = vector.broadcast %get3A_19 : vector<1x128xf32> to vector<1000x128xf32>
    %add3A_21 = arith.addf %mul3A_16, %add3A_20 : vector<1000x128xf32>
    %get3A_22 = arith.constant 0 : index
    %get3A_23 = arith.constant 0 : index
    %get3A_24 = vector.load %arg6[%get3A_22, %get3A_23] : memref<128x10xf32, #tpu.memory_space<vmem>>, vector<128x10xf32>
    %dot_general3A = arith.constant dense<0.000000e+00> : vector<1000x10xf32>
    %dot_general3A_25 = tpu.matmul %add3A_21, %get3A_24, %dot_general3A {dimension_numbers = #tpu.dot_dimension_numbers<[1], [0], [0], [1], [0, 0, 1, 1], [], []>, precision = #tpu.contract_precision<fp32>, transpose_lhs_hint = false} : vector<1000x128xf32>, vector<128x10xf32>, vector<1000x10xf32> -> vector<1000x10xf32>
    %get3A_26 = arith.constant 0 : index
    %get3A_27 = arith.constant 0 : index
    %get3A_28 = vector.load %arg7[%get3A_26, %get3A_27] : memref<1x10xf32, #tpu.memory_space<vmem>>, vector<1x10xf32>
    %add3A_29 = vector.broadcast %get3A_28 : vector<1x10xf32> to vector<1000x10xf32>
    %add3A_30 = arith.addf %dot_general3A_25, %add3A_29 : vector<1000x10xf32>
    %swap3A = arith.constant 0 : index
    %swap3A_31 = arith.constant 0 : index
    %swap3A_32 = vector.load %arg8[%swap3A, %swap3A_31] : memref<1000x10xf32, #tpu.memory_space<vmem>>, vector<1000x10xf32>
    tpu.vector_store %arg8[%swap3A, %swap3A_31], %add3A_30 {strides = array<i32>} : memref<1000x10xf32, #tpu.memory_space<vmem>>, vector<1000x10xf32>,
    return
  }
  func.func @transform_0(%arg0: i32) -> (i32, i32, i32) {
    %c0_i32 = arith.constant 0 : i32
    %c0_i32_0 = arith.constant 0 : i32
    %c0_i32_1 = arith.constant 0 : i32
    return %c0_i32, %arg0, %c0_i32_0 : i32, i32, i32
  }
  func.func @transform_1(%arg0: i32) -> (i32, i32, i32) {
    %c1_i32 = arith.constant 1 : i32
    %c0_i32 = arith.constant 0 : i32
    %c0_i32_0 = arith.constant 0 : i32
    return %c1_i32, %arg0, %c0_i32 : i32, i32, i32
  }
  func.func @transform_2(%arg0: i32) -> (i32, i32) {
    %c0_i32 = arith.constant 0 : i32
    %c0_i32_0 = arith.constant 0 : i32
    return %arg0, %c0_i32 : i32, i32
  }
  func.func @transform_3(%arg0: i32) -> (i32, i32) {
    %c0_i32 = arith.constant 0 : i32
    %c0_i32_0 = arith.constant 0 : i32
    return %arg0, %c0_i32 : i32, i32
  }
  func.func @transform_4(%arg0: i32) -> (i32, i32) {
    %c0_i32 = arith.constant 0 : i32
    %c0_i32_0 = arith.constant 0 : i32
    %c0_i32_1 = arith.constant 0 : i32
    return %c0_i32, %c0_i32_0 : i32, i32
  }
  func.func @transform_5(%arg0: i32) -> (i32, i32) {
    %c0_i32 = arith.constant 0 : i32
    %c0_i32_0 = arith.constant 0 : i32
    %c0_i32_1 = arith.constant 0 : i32
    return %c0_i32, %c0_i32_0 : i32, i32
  }
  func.func @transform_6(%arg0: i32) -> (i32, i32) {
    %c0_i32 = arith.constant 0 : i32
    %c0_i32_0 = arith.constant 0 : i32
    %c0_i32_1 = arith.constant 0 : i32
    return %c0_i32, %c0_i32_0 : i32, i32
  }
  func.func @transform_7(%arg0: i32) -> (i32, i32) {
    %c0_i32 = arith.constant 0 : i32
    %c0_i32_0 = arith.constant 0 : i32
    return %arg0, %c0_i32 : i32, i32
  }
}

</mosaic_0001>

<sc_bundles>
// kernel: kernel.12.cloned.1.call-start
scs
__scs_entry_jumppad:
0x0: {  	(pc) =	sbr.rel $0x88, $3  }
0x1: {  	(tag) =	ssettag $0x0;
	lr =	simm.s32 $0x1  }
0x2: {  	[smem:$0x3F99] =	sst lr;
	_ =	strace $0xD0000000  }
0x3: {  	_ = 	snop  }
0x4: {  	_ = 	snop  }
0x5: {  	_ = 	snop  }
0x6: {  	_ = 	snop  }
0x7: {  	_ = 	snop  }
__scs_overlays_trampoline_lowered:
0x8: {  	[smem:$0x3FA8] =	sst s0  }
0x9: {  	[smem:$0x3FA9] =	sst s1  }
0xa: {  	[smem:$0x3FAA] =	sst s2  }
0xb: {  	[smem:$0x3FAB] =	sst s3  }
0xc: {  	[smem:$0x3FAC] =	sst s4  }
0xd: {  	[smem:$0x3FAD] =	sst s5  }
0xe: {  	[smem:$0x3FAE] =	sst s6  }
0xf: {  	[smem:$0x3FAF] =	sst s7  }
0x10: {  	[smem:$0x3FB0] =	sst s8  }
0x11: {  	[smem:$0x3FB1] =	sst s9;
	s0 =	simm.s32 @!p0 $0x0  }
0x12: {  	s1 =	sld [smem:$0x3F97];
	s0 =	simm.s32 @p0 $0x1  }
0x13: {  	[smem:$0x3FB2] =	sst s0;
	s0 =	simm.s32 @!p1 $0x0  }
0x14: {  	s2 =	sld [smem:$0x3F96];
	s0 =	simm.s32 @p1 $0x1  }
0x15: {  	[smem:$0x3FB3] =	sst s0;
	s0 =	simm.s32 @!p2 $0x0  }
0x16: {  	s3 =	sld [smem:$0x3FDB];
	s0 =	simm.s32 @p2 $0x1  }
0x17: {  	s4 =	simm.s32 $0x1BF5;
	[smem:$0x3FB5] =	sst s0  }
0x18: {  	s0 =	sld [smem:$0x3F98];
	_ =	swait.ge [sflag:s4], $0x0  }
0x19: {  	s7 =	sld [smem:$0x3F99]  }
0x1a: {  	s8 =	sadd.s32 $0xFFFFE003, lr  }
0x1b: {  	s9 =	sadd.s32 $0xFFFFFEF7, lr;
	s5 =	simm.s32 $0xFFFFFFFF;
	p2 =	slt.u32 s8, $0xFFFFF086  }
0x1c: {  	p1 =	slt.u32 s9, $0xF7A;
	s5 =	simm.s32 @!p2 $0x0  }
0x1d: {  	s5 =	simm.s32 @p1 $0x1;
	p0 =	seq.s32 s7, s2  }
0x1e: {  	s7 =	smul.u32 @!p0 $0xF7A, s2;
	p2 =	seq.s32 @!p0 s5, $0x0  }
0x1f: {  	s9 =	smul.u32 $0xF7A, s1;
	s8 =	simm.s32 @!p0 $0x1BF5;
	p2 =	por !p2, p0  }
0x20: {  	[sflag:s8] =	ssyncset.s32 @!p0 $0xFFFFF086;
	s6 =	sadd.s32 @!p0 s3, s7;
	s7 =	simm.s32 @!p0 $0x108  }
0x21: {  	s3 =	sadd.s32 s3, s9;
	s6 =	sadd.s32 @!p0 $0x88, s6;
	s7 =	simm.s32 @p2 $0x1082  }
0x22: {  	[simem:s7], [sflag:s8] =	dma.local @!p0 [hbm:s6], $0xF7A  }
0x23: {  	s9 =	sor.u32 $0xD0000000, s2;
	s6 =	simm.s32 $0x108;
	_ =	swait.ge @!p0 [sflag:s8], $0x0  }
0x24: {  	s3 =	sadd.s32 $0x88, s3;
	s6 =	simm.s32 @!p1 $0x1082;
	[sflag:s4] =	ssyncset.s32 $0xFFFFF086  }
0x25: {  	[simem:s6], [sflag:s4] =	dma.local [hbm:s3], $0xF7A  }
0x26: {  	[smem:$0x3F99] =	sst s1;
	(tag) =	ssettag s2;
	_ =	strace s9  }
0x27: {  	s1 =	sld [smem:$0x3FA9]  }
0x28: {  	s2 =	sld [smem:$0x3FAA]  }
0x29: {  	s4 =	sld [smem:$0x3FAC]  }
0x2a: {  	p0 =	seq.s32 s5, $0x0;
	s5 =	sld [smem:$0x3FAD]  }
0x2b: {  	s6 =	sld [smem:$0x3FAE]  }
0x2c: {  	s7 =	sld [smem:$0x3FAF]  }
0x2d: {  	s3 =	simm.s32 $0x108;
	s8 =	sld [smem:$0x3FB0]  }
0x2e: {  	s3 =	simm.s32 @!p0 $0x1082;
	s9 =	sld [smem:$0x3FB1]  }
0x2f: {  	lr =	sadd.s32 s0, s3;
	s0 =	sld [smem:$0x3FA8]  }
0x30: {  	s3 =	sld [smem:$0x3FAB]  }
0x31: {  	[smem:$0x3FB4] =	sst s10  }
0x32: {  	s10 =	sld [smem:$0x3FB2];
	_ =	sdelay $0x3  }
0x33: {  	p0 =	seq.s32 s10, $0x1;
	s10 =	sld [smem:$0x3FB4];
	_ =	sdelay $0x3  }
0x34: {  	[smem:$0x3FB4] =	sst s10  }
0x35: {  	s10 =	sld [smem:$0x3FB3];
	_ =	sdelay $0x3  }
0x36: {  	p1 =	seq.s32 s10, $0x1;
	s10 =	sld [smem:$0x3FB4];
	_ =	sdelay $0x3  }
0x37: {  	[smem:$0x3FB4] =	sst s10  }
0x38: {  	s10 =	sld [smem:$0x3FB5]  }
0x39: {  	_ = 	snop;
	(pc) =	sbr.ind lr, $3  }
0x3a: {  	_ = 	snop  }
0x3b: {  	_ = 	snop  }
0x3c: {  	p2 =	seq.s32 s10, $0x1;
	s10 =	sld [smem:$0x3FB4]  }
0x3d: {  	_ =	shalt  }
0x3e: {  	_ =	shalt  }
0x3f: {  	_ =	shalt  }
0x40: {  	_ =	shalt  }
0x41: {  	_ =	shalt  }
0x42: {  	_ =	shalt  }
0x43: {  	_ =	shalt  }
0x44: {  	_ =	shalt  }
0x45: {  	_ =	shalt  }
0x46: {  	_ =	shalt  }
0x47: {  	_ =	shalt  }
0x48: {  	_ =	shalt  }
0x49: {  	_ =	shalt  }
0x4a: {  	_ =	shalt  }
0x4b: {  	_ =	shalt  }
0x4c: {  	_ =	shalt  }
0x4d: {  	_ =	shalt  }
0x4e: {  	_ =	shalt  }
0x4f: {  	_ =	shalt  }
0x50: {  	_ =	shalt  }
0x51: {  	_ =	shalt  }
0x52: {  	_ =	shalt  }
0x53: {  	_ =	shalt  }
0x54: {  	_ =	shalt  }
0x55: {  	_ =	shalt  }
0x56: {  	_ =	shalt  }
0x57: {  	_ =	shalt  }
0x58: {  	_ =	shalt  }
0x59: {  	_ =	shalt  }
0x5a: {  	_ =	shalt  }
0x5b: {  	_ =	shalt  }
0x5c: {  	_ =	shalt  }
0x5d: {  	_ =	shalt  }
0x5e: {  	_ =	shalt  }
0x5f: {  	_ =	shalt  }
0x60: {  	_ =	shalt  }
0x61: {  	_ =	shalt  }
0x62: {  	_ =	shalt  }
0x63: {  	_ =	shalt  }
0x64: {  	_ =	shalt  }
0x65: {  	_ =	shalt  }
0x66: {  	_ =	shalt  }
0x67: {  	_ =	shalt  }
0x68: {  	_ =	shalt  }
0x69: {  	_ =	shalt  }
0x6a: {  	_ =	shalt  }
0x6b: {  	_ =	shalt  }
0x6c: {  	_ =	shalt  }
0x6d: {  	_ =	shalt  }
0x6e: {  	_ =	shalt  }
0x6f: {  	_ =	shalt  }
0x70: {  	_ =	shalt  }
0x71: {  	_ =	shalt  }
0x72: {  	_ =	shalt  }
0x73: {  	_ =	shalt  }
0x74: {  	_ =	shalt  }
0x75: {  	_ =	shalt  }
0x76: {  	_ =	shalt  }
0x77: {  	_ =	shalt  }
0x78: {  	_ =	shalt  }
0x79: {  	_ =	shalt  }
0x7a: {  	_ =	shalt  }
0x7b: {  	_ =	shalt  }
0x7c: {  	_ =	shalt  }
0x7d: {  	_ =	shalt  }
0x7e: {  	_ =	shalt  }
0x7f: {  	_ =	shalt  }
0x80: {  	_ =	shalt  }
0x81: {  	_ =	shalt  }
0x82: {  	_ =	shalt  }
0x83: {  	_ =	shalt  }
0x84: {  	_ =	shalt  }
0x85: {  	_ =	shalt  }
0x86: {  	_ =	shalt  }
0x87: {  	_ =	shalt  }
.Lfunc_end0:
.L_simem_size_0:
called_computation.1_lowered:
.L_overlay_start_0:
0x88: {  	s2 =	sld [smem:$0x3FD9]  }
0x89: {  	s3 =	sld [smem:$0x3FFE];
	_ =	sdelay $0x1  }
0x8a: {  	s1 =	srdreg.scid  }
0x8b: {  	s0 =	sand.u32 $0x1, s1  }
0x8c: {  	s17 =	sshll.u32 s0, $0xA;
	s2 =	sadd.s32 s3, s2  }
0x8d: {  	s2 =	sadd.s32 s2, s17  }
0x8e: {  	[smem:$0x3FC0] =	sst s2  }
0x8f: {  	_ = 	snop  }
0x90: {  	s2 =	sld [smem:$0x3FD0];
	(tm) =	ssettm $0x1  }
0x91: {  	s18 =	sld [smem:$0x3FFB];
	_ =	sdelay $0x3  }
0x92: {  	_ =	strace s18  }
0x93: {  	s3 =	sld [smem:$0x3FFC];
	_ =	sdelay $0x3  }
0x94: {  	_ =	strace s3  }
0x95: {  	s3 =	sld [smem:$0x3FFD];
	_ =	sdelay $0x3  }
0x96: {  	_ =	strace s3  }
0x97: {  	_ =	strace $0x8FFFFFFF  }
0x98: {  	s19 =	sld [smem:$0x3FDB];
	_ =	sdelay $0x1  }
0x99: {  	s4 =	simm.s32 $_scs_section_size  }
0x9a: {  	s5 =	simm.s32 $_size__tile_overlayer_lowered;
	s6 =	simm.s32 $_tile_overlayer_lowered  }
0x9b: {  	s22 =	simm.s32 $0x1BFF;
	s21 =	sshll.u32 s6, $0x1;
	s3 =	sadd.s32 s4, s19  }
0x9c: {  	s7 =	simm.s32 $0x0;
	s20 =	sshll.u32 s5, $0x1;
	s5 =	sadd.s32 s21, s3  }
0x9d: {  	[timem:s7], [sflag:s22] =	dma.local [hbm:s5], s20  }
0x9e: {  	_ =	swait.ge [sflag:s22], s20  }
0x9f: {  	s4 =	ssub.s32 $0x0, s20;
	[sflag:s22] =	ssyncset.done $0x0  }
0xa0: {  	[sflag:s22] =	ssyncadd.s32 s4;
	_ =	sdelay $0x1  }
0xa1: {  	s23 =	simm.s32 $0x1B8B  }
0xa2: {  	_ =	swait.ge [sflag:s23], $0x1  }
0xa3: {  	[sflag:s23] =	ssyncset.done $0x0  }
0xa4: {  	s25 =	simm.s32 $0x1B8E;
	s24 =	sld [smem:$0x3FFE];
	[sflag:s23] =	ssyncadd.s32 $0xFFFFFFFF  }
0xa5: {  	s26 =	simm.s32 $execute0_lowered;
	[smem:$0x3FD2] =	sst s25  }
0xa6: {  	s5 =	sshll.u32 s26, $0x1;
	_ =	strace $0x80000049;
	[dreg:$0x1] =	wrdreg $0xFFFFFFFF  }
0xa7: {  	s28 =	simm.s32 $_size_execute0_lowered;
	s3 =	sadd.s32 s3, s5;
	[dreg:$0x0] =	wrdreg $0x0  }
0xa8: {  	s5 =	sshll.u32 s28, $0x1;
	[dreg:$0x2] =	wrdreg s3  }
0xa9: {  	[dreg:$0x3] =	wrdreg s5  }
0xaa: {  	[dreg:$0x4] =	wrdreg $0xC0  }
0xab: {  	_ =	task [dreg:s7], $0x5FFFF  }
0xac: {  	[dreg:$0x1] =	wrdreg $0xFFFFFFFF  }
0xad: {  	[dreg:$0x0] =	wrdreg $0x60  }
0xae: {  	[dreg:$0x2] =	wrdreg s24  }
0xaf: {  	[dreg:$0x3] =	wrdreg s2  }
0xb0: {  	[dreg:$0x4] =	wrdreg $0xAA000  }
0xb1: {  	[dreg:$0x5] =	wrdreg $0x9  }
0xb2: {  	_ =	task.clear_ibuf [dreg:s7], $0x6FFFF;
	_ =	strace $0x90000049  }
0xb3: {  	s29 =	simm.s32 $0x9;
	_ =	strace $0x8000004B  }
0xb4: {  	_ =	swait.ge [sflag:s29], $0x1  }
0xb5: {  	[sflag:s29] =	ssyncadd.s32 $0xFFFFFFFF  }
0xb6: {  	_ =	strace $0x9000004B  }
0xb7: {  	_ =	sfence  }
0xb8: {  	s30 =	sld [smem:$0x0];
	_ =	sdelay $0x2  }
0xb9: {  	s31 =	sshll.u32 s1, $0xD;
	s1 =	sshrl.u32 s1, $0x2  }
0xba: {  	s3 =	sand.u32 $0x4000, s31;
	s1 =	sadd.s32 s1, s30  }
0xbb: {  	s0 =	sor.u32 s3, s0;
	s1 =	sshll.u32 s1, $0x11  }
0xbc: {  	s0 =	sor.u32 s1, s0  }
0xbd: {  	s0 =	sadd.s32 $0x8F2B, s0  }
0xbe: {  	[sflag:s0] =	ssyncadd.remote.s32 $0x1  }
0xbf: {  	_ =	sfence.sel $0xFFFF  }
0xc0: {  	[dreg:$0x0] =	wrdreg $0xFFFFFFFF;
	(pc) =	sbr.abs _section_cstart, $3  }
0xc1: {  	[dreg:$0x1] =	wrdreg $0xFFFFFFFF  }
0xc2: {  	_ =	task.clear_ibuf [dreg:s7], $0x2FFFF;
	_ =	strace $0x9FFFFFFF  }
0xc3: {  	(tm) =	ssettm $0x7FFFFFFF  }
tec
execute0_lowered:
.L_overlay_start_1:
0x0: {  	(tag) =	ssettag $0x1  }
0x1: {  	s0 =	srdreg.scid  }
0x2: {  	s8 =	rddreg [dreg:$0x0];
	s29 =	stileid.u32  }
0x3: {  	s3 =	rddreg [dreg:$0x2];
	s4 =	simm.s32 $0x0;
	s18 =	simm.s32 $0x6  }
0x4: {  	s19 =	simm.s32 $0x7D;
	s20 =	simm.s32 $0x2A00;
	s21 =	simm.s32 $0x0  }
0x5: {  	s9 =	sand.u32 $0x1, s0;
	[smem:$0x7FF] =	sst s4;
	s11 =	smul.u32 $0x14000, s29  }
0x6: {  	s6 =	sadd.s32 $0x2A600, s8;
	s7 =	sadd.s32 $0x20600, s8;
	s30 =	smul.u32 $0x50000, s29  }
0x7: {  	s1 =	sshll.u32 s9, $0x4;
	s10 =	smul.u32 $0x140000, s9;
	s9 =	ssub.s32 $0x2, s9  }
0x8: {  	_ =	strace $0x8000004A;
	s5 =	sor.u32 s29, s1;
	s14 =	sshrl.u32 s9, $0x1  }
0x9: {  	s31 =	sshrl.u32 s30, $0x2;
	s5 =	smul.u32 $0x2800, s5;
	s10 =	sadd.s32 s11, s10  }
0xa: {  	s14 =	ssub.s32 s9, s14;
	s16 =	sadd.s32 s31, s3;
	s10 =	sshrl.u32 s10, $0x3  }
0xb: {  	s14 =	smax.u32 s14, $0x1;
	s12 =	sshrl.u32 s5, $0x3;
	s15 =	sadd.s32 s10, s8  }
0xc: {  	s13 =	sadd.s32 s12, s8;
	s8 =	sshll.u32 s29, $0x6;
	s9 =	sadd.s32 s7, s12  }
0xd: {  	s10 =	sor.u32 $0x1C06, s8;
	s11 =	sadd.s32 $0x16600, s13;
	s12 =	sadd.s32 $0x10, s9  }
0xe: {  	s13 =	sadd.s32 $0x51800, s15;
	s15 =	sshrl.u32 s16, $0x3;
	s16 =	simm.s32 $0x7  }
.LBB2_1:
0xf: {  	s0 =	rddreg [dreg:$0x1]  }
0x10: {  	s26 =	simm.s32 $0x200;
	s25 =	simm.s32 $0x80;
	s22 =	simm.s32 $0x2  }
0x11: {  	[spmem:s15], [sflag:s10] =	dma.local [hbm:s0], $0x2800  }
0x12: {  	[tilespmem:s26], [sflag:$0x7] =	stream.linear.gather [hbm4b:s11+s4], $0x2800, $0x38;
	[tilespmem:$0x1EA00] =	vst v63  }
0x13: {  	p0 =	por $0x0, $0x0;
	s23 =	simm.s32 $0x100;
	_ =	swait.ge [sflag:s16], $0x2800  }
0x14: {  	s24 =	simm.s32 $0x0;
	s28 =	simm.s32 $0x1;
	[sflag:s16] =	ssyncset.done $0x0  }
0x15: {  	p1 =	por $0x0, $0x0;
	s22 =	smul.u32 @!p0 $0xAB, s22;
	[sflag:s16] =	ssyncadd.s32 $0xFFFFD800  }
0x16: {  	[tilespmem:s4], [sflag:$0x7] =	stream.linear.gather [hbm4b:s9+s4], $0x80, $0x38;
	[tilespmem:$0x1EA00] =	vst v63  }
0x17: {  	s24 =	sand.u32 $0x1, s24;
	s29 =	sand.u32 @!p0 $0x7C00, s23;
	_ =	swait.ge [sflag:s16], $0x80  }
0x18: {  	s30 =	smul.u32 $0xAB, s28;
	s23 =	sand.u32 @!p0 $0x380, s23;
	[sflag:s16] =	ssyncset.done $0x0  }
0x19: {  	s31 =	simm.s32 @!p0 $0x0;
	s29 =	sadd.s32 @!p0 s5, s29;
	[sflag:s16] =	ssyncadd.s32 $0xFFFFFF80  }
0x1a: {  	[tilespmem:s25], [sflag:$0x2] =	stream.linear.gather [hbm4b:s12+s4], $0x80, $0x38;
	[tilespmem:$0x1EA00] =	vst v63  }
0x1b: {  	s23 =	sor.u32 @!p0 s23, s29;
	s29 =	sor.u32 $0x4, s24;
	s25 =	sshrl.u32 @!p0 s22, $0x9  }
0x1c: {  	s30 =	sshrl.u32 s30, $0x9;
	_ =	swait.ge [sflag:s18], $0x2800;
	s25 =	sand.u32 @!p0 $0x7F, s25  }
0x1d: {  	s24 =	sshll.u32 s24, $0xE;
	[sflag:s18] =	ssyncset.done $0x0;
	s25 =	smul.u32 @!p0 $0x3, s25  }
0x1e: {  	s23 =	sshrl.u32 @!p0 s23, $0x3;
	s30 =	sand.u32 $0x7F, s30;
	[sflag:s18] =	ssyncadd.s32 $0xFFFFD800  }
0x1f: {  	s30 =	smul.u32 $0x3, s30;
	[bflag:$0x0] =	sbarrier.arrive $0xFFFF;
	s25 =	ssub.s32 @!p0 $0x2, s25  }
0x20: {  	[tilespmem:s20], [sflag:$0x4] =	stream.indirect.gather [hbm4b:s6+s19], $0x80, s4, s19, $0xb8;
	[tilespmem:$0x1EA00] =	vst v63  }
0x21: {  	s23 =	sadd.s32 @!p0 s7, s23;
	s30 =	ssub.s32 $0x1, s30;
	s25 =	sand.u32 @!p0 $0xFF, s25  }
0x22: {  	s22 =	simm.s32 $0x3;
	s1 =	sshll.u32 @!p0 s25, $0x7;
	s25 =	sadd.s32 @!p0 $0x1, s25  }
0x23: {  	[tilespmem:s1], [sflag:s25] =	stream.linear.gather @!p0 [hbm4b:s23+s31], $0x80, $0x38;
	[tilespmem:$0x1EA00] =	vst v63  }
0x24: {  	s25 =	simm.s32 $0x4;
	p0 =	por $0x0, $0x0;
	_ =	swait.ge [sflag:s29], $0x3E80  }
0x25: {  	s1 =	sand.u32 $0xFF, s30;
	s23 =	sand.u32 $0x1, s28;
	[sflag:s29] =	ssyncset.done $0x0  }
0x26: {  	s31 =	simm.s32 $0x1;
	s28 =	sadd.s32 @!p0 $0x1, s1;
	[sflag:s29] =	ssyncadd.s32 $0xFFFFC180  }
0x27: {  	s30 =	simm.s32 @!p0 $0x7D;
	s1 =	sshll.u32 @!p0 s1, $0x7;
	_ =	swait.ge @!p0 [sflag:s28], $0x80  }
0x28: {  	s29 =	sshll.u32 @!p0 s23, $0xE;
	s23 =	sor.u32 @!p0 $0x4, s23;
	[sflag:s28] =	ssyncset.done @!p0 $0x0  }
0x29: {  	s29 =	sor.u32 @!p0 $0x2A00, s29;
	[sflag:s28] =	ssyncadd.s32 @!p0 $0xFFFFFF80;
	s28 =	simm.s32 $0x180  }
0x2a: {  	[tilespmem:s29], [sflag:s23] =	stream.indirect.gather @!p0 [hbm4b:s6+s30], $0x80, s1, s30, $0xb8;
	[tilespmem:$0x1EA00] =	vst v63  }
0x2b: {  	s29 =	sor.u32 $0x2A00, s24;
	s23 =	simm.s32 $0x280;
	s24 =	sand.u32 $0x1, s31  }
.LBB2_2:
0x2c: {  	s1 =	smul.u32 @!p1 $0xAB, s22  }
0x2d: {  	p0 =	seq.s32 s22, $0x51;
	s30 =	smov.u32 s25;
	s25 =	sadd.s32 $0x1, s25  }
0x2e: {  	[spmem:s3] =	stream.indirect.scatter.add.f32 [tilespmem:s29], [sflag:$0x7], $0x80, s26, s19, $0xb8;
	[tilespmem:$0x1EA00] =	vst v63  }
0x2f: {  	s26 =	simm.s32 @!p1 $0x0;
	s1 =	sshrl.u32 @!p1 s1, $0x9;
	_ =	swait.ge [sflag:s16], $0x3E80  }
0x30: {  	s29 =	sadd.s32 $0xFFFFFFFF, s22;
	s1 =	sand.u32 @!p1 $0x7F, s1;
	[sflag:s16] =	ssyncset.done $0x0  }
0x31: {  	s31 =	sand.u32 @!p1 $0x7C00, s28;
	s1 =	smul.u32 @!p1 $0x3, s1;
	[sflag:s16] =	ssyncadd.s32 $0xFFFFC180  }
0x32: {  	s2 =	sand.u32 @!p1 $0x380, s28;
	s31 =	sadd.s32 @!p1 s5, s31;
	s0 =	smul.u32 $0xAB, s29  }
0x33: {  	s2 =	sor.u32 @!p1 s2, s31;
	s1 =	ssub.s32 @!p1 s22, s1;
	s22 =	sor.u32 $0x4, s24  }
0x34: {  	s2 =	sshrl.u32 @!p1 s2, $0x3;
	s0 =	sshrl.u32 s0, $0x9;
	s1 =	sand.u32 @!p1 $0xFF, s1  }
0x35: {  	s2 =	sadd.s32 @!p1 s7, s2;
	s31 =	sshll.u32 @!p1 s1, $0x7;
	s1 =	sadd.s32 @!p1 $0x1, s1  }
0x36: {  	[tilespmem:s31], [sflag:s1] =	stream.linear.gather @!p1 [hbm4b:s2+s26], $0x80, $0x38;
	[tilespmem:$0x1EA00] =	vst v63  }
0x37: {  	s0 =	sand.u32 $0x7F, s0;
	s1 =	sand.u32 $0x1, s29;
	_ =	swait.ge [sflag:s22], $0x3E80  }
0x38: {  	s0 =	smul.u32 $0x3, s0;
	s2 =	sshll.u32 @!p0 s1, $0xE;
	[sflag:s22] =	ssyncset.done $0x0  }
0x39: {  	p2 =	sne.s32 s25, $0x52;
	[sflag:s22] =	ssyncadd.s32 $0xFFFFC180;
	s22 =	smov.u32 s30  }
0x3a: {  	s0 =	ssub.s32 s29, s0;
	s26 =	smov.u32 s23;
	s30 =	simm.s32 @!p0 $0x7D  }
0x3b: {  	s0 =	sand.u32 $0xFF, s0;
	s1 =	sor.u32 @!p0 $0x4, s1;
	s2 =	sor.u32 @!p0 $0x2A00, s2  }
0x3c: {  	s24 =	sshll.u32 s24, $0xE;
	s31 =	sadd.s32 @!p0 $0x1, s0;
	s0 =	sshll.u32 @!p0 s0, $0x7  }
.Ltmp0:
0x3d: {  	_ =	swait.ge @!p0 [sflag:s31], $0x80;
	(pc) =	sbr.rel @p2 .LBB2_2-.Ltmp0, $4  }
0x3e: {  	s29 =	sor.u32 $0x2A00, s24;
	[sflag:s31] =	ssyncset.done @!p0 $0x0  }
0x3f: {  	s23 =	sadd.s32 $0x80, s23;
	s17 =	sadd.s32 $0xFFFFFFFE, s22;
	[sflag:s31] =	ssyncadd.s32 @!p0 $0xFFFFFF80  }
0x40: {  	[tilespmem:s2], [sflag:s1] =	stream.indirect.gather @!p0 [hbm4b:s6+s30], $0x80, s0, s30, $0xb8;
	[tilespmem:$0x1EA00] =	vst v63  }
0x41: {  	s28 =	sadd.s32 $0x80, s28;
	s24 =	sand.u32 $0x1, s17;
	p1 =	sgt.u32 s17, $0x4D  }
0x42: {  	s0 =	smul.u32 @!p1 $0xAB, s22  }
0x43: {  	[spmem:s3] =	stream.indirect.scatter.add.f32 [tilespmem:s29], [sflag:$0x7], $0x80, s26, s19, $0xb8;
	[tilespmem:$0x1EA00] =	vst v63  }
0x44: {  	s1 =	simm.s32 @!p1 $0x0;
	s0 =	sshrl.u32 @!p1 s0, $0x9  }
0x45: {  	s2 =	sadd.s32 $0xFFFFFFFF, s22;
	s17 =	sand.u32 @!p1 $0x7C00, s28;
	s0 =	sand.u32 @!p1 $0x7F, s0  }
0x46: {  	s26 =	sand.u32 @!p1 $0x380, s28;
	_ =	swait.ge [sflag:s16], $0x3E80;
	s0 =	smul.u32 @!p1 $0x3, s0  }
0x47: {  	s25 =	smul.u32 $0xAB, s2;
	s17 =	sadd.s32 @!p1 s5, s17;
	[sflag:s16] =	ssyncset.done $0x0  }
0x48: {  	s17 =	sor.u32 @!p1 s26, s17;
	[sflag:s16] =	ssyncadd.s32 $0xFFFFC180;
	s0 =	ssub.s32 @!p1 s22, s0  }
0x49: {  	s25 =	sshrl.u32 s25, $0x9;
	s17 =	sshrl.u32 @!p1 s17, $0x3;
	s0 =	sand.u32 @!p1 $0xFF, s0  }
0x4a: {  	s17 =	sadd.s32 @!p1 s7, s17;
	s26 =	sshll.u32 @!p1 s0, $0x7;
	s0 =	sadd.s32 @!p1 $0x1, s0  }
0x4b: {  	[tilespmem:s26], [sflag:s0] =	stream.linear.gather @!p1 [hbm4b:s17+s1], $0x80, $0x38;
	[tilespmem:$0x1EA00] =	vst v63  }
0x4c: {  	s26 =	sand.u32 $0x7F, s25  }
0x4d: {  	s0 =	smul.u32 $0x3, s26  }
0x4e: {  	s28 =	sor.u32 $0x4, s24  }
0x4f: {  	_ =	swait.ge [sflag:s28], $0x3E80;
	s0 =	ssub.s32 s2, s0  }
0x50: {  	p0 =	seq.s32 s22, $0x51;
	[sflag:s28] =	ssyncset.done $0x0;
	s0 =	sand.u32 $0xFF, s0  }
0x51: {  	s29 =	sshll.u32 s24, $0xE;
	[sflag:s28] =	ssyncadd.s32 $0xFFFFC180;
	s1 =	sadd.s32 @!p0 $0x1, s0  }
0x52: {  	s22 =	simm.s32 @!p0 $0x7D;
	s2 =	sand.u32 $0x1, s2;
	_ =	swait.ge @!p0 [sflag:s1], $0x80  }
0x53: {  	s17 =	sshll.u32 @!p0 s2, $0xE;
	s2 =	sor.u32 @!p0 $0x4, s2;
	[sflag:s1] =	ssyncset.done @!p0 $0x0  }
0x54: {  	s17 =	sor.u32 @!p0 $0x2A00, s17;
	s0 =	sshll.u32 @!p0 s0, $0x7;
	[sflag:s1] =	ssyncadd.s32 @!p0 $0xFFFFFF80  }
0x55: {  	[tilespmem:s17], [sflag:s2] =	stream.indirect.gather @!p0 [hbm4b:s6+s22], $0x80, s0, s22, $0xb8;
	[tilespmem:$0x1EA00] =	vst v63  }
0x56: {  	s30 =	sor.u32 $0x2A00, s29  }
0x57: {  	[spmem:s3] =	stream.indirect.scatter.add.f32 [tilespmem:s30], [sflag:$0x7], $0x80, s23, s19, $0xb8;
	[tilespmem:$0x1EA00] =	vst v63  }
0x58: {  	_ =	swait.ge [sflag:s16], $0x3E80  }
0x59: {  	s21 =	sadd.s32 $0x1, s21;
	[sflag:s16] =	ssyncset.done $0x0  }
0x5a: {  	p0 =	sne.s32 s21, s14;
	[sflag:s16] =	ssyncadd.s32 $0xFFFFC180  }
.Ltmp1:
0x5b: {  	s31 =	sor.u32 $0x1C07, s8;
	[bflag:$0x0] =	sbarrier.arrive $0xFFFF;
	(pc) =	sbr.rel @p0 .LBB2_1-.Ltmp1, $4  }
0x5c: {  	[hbm:s13], [sflag:s31] =	dma.local [spmem:s15], $0x2800  }
0x5d: {  	_ =	swait.ge [sflag:s16], $0x2800  }
0x5e: {  	[sflag:s16] =	ssyncset.done $0x0  }
0x5f: {  	[sflag:s16] =	ssyncadd.s32 $0xFFFFD800  }
0x60: {  	_ =	sfence.sel $0x180000  }
0x61: {  	[bflag:$0x0] =	sbarrier.arrive $0xFFFF  }
0x62: {  	_ =	strace $0x9000004A  }
0x63: {  	s0 =	stileid.u32;
	[bflag:$0x2] =	sbarrier.arrive $0xFFFF  }
0x64: {  	p0 =	sne.s32 s0, $0x0;
	s0 =	rddreg [dreg:$0x3]  }
0x65: {  	s0 =	sadd.s32 @!p0 $0x100000, s0  }
0x66: {  	[sflag:s0] =	ssyncadd.tile.s32 @!p0 $0x1;
	_ =	shalt  }
.Lfunc_end2:
_tile_overlayer_lowered:
.L_overlay_start_2:
0x67: {  	(tag) =	ssettag $0x2  }
0x68: {  	s0 =	rddreg [dreg:$0x0];
	s2 =	stileid.u32  }
0x69: {  	s1 =	rddreg [dreg:$0x1];
	p0 =	sne.s32 s2, $0x0  }
0x6a: {  	s3 =	rddreg [dreg:$0x2];
	[bflag:$0x3] =	sbarrier.arrive $0xFFFF;
	s2 =	simm.s32 @!p0 $0x1C07  }
0x6b: {  	[timem:s3], [sflag:s2] =	dma.local @!p0 [hbm:s0], s1  }
0x6c: {  	s0 =	simm.s32 @!p0 $0x7  }
0x6d: {  	_ =	swait.ge @!p0 [sflag:s0], s1  }
0x6e: {  	s1 =	ssub.s32 @!p0 $0x0, s1;
	[sflag:s0] =	ssyncset.done @!p0 $0x0  }
0x6f: {  	[sflag:s0] =	ssyncadd.s32 @!p0 s1  }
0x70: {  	[bflag:$0x3] =	sbarrier.arrive $0xFFFF  }
0x71: {  	_ =	shalt  }

// kernel: kernel.15.cloned.1.call-start
scs
__scs_entry_jumppad:
0x0: {  	(pc) =	sbr.rel $0x88, $3  }
0x1: {  	(tag) =	ssettag $0x0;
	lr =	simm.s32 $0x1  }
0x2: {  	[smem:$0x3F99] =	sst lr;
	_ =	strace $0xD0000000  }
0x3: {  	_ = 	snop  }
0x4: {  	_ = 	snop  }
0x5: {  	_ = 	snop  }
0x6: {  	_ = 	snop  }
0x7: {  	_ = 	snop  }
__scs_overlays_trampoline_lowered:
0x8: {  	[smem:$0x3FA8] =	sst s0  }
0x9: {  	[smem:$0x3FA9] =	sst s1  }
0xa: {  	[smem:$0x3FAA] =	sst s2  }
0xb: {  	[smem:$0x3FAB] =	sst s3  }
0xc: {  	[smem:$0x3FAC] =	sst s4  }
0xd: {  	[smem:$0x3FAD] =	sst s5  }
0xe: {  	[smem:$0x3FAE] =	sst s6  }
0xf: {  	[smem:$0x3FAF] =	sst s7  }
0x10: {  	[smem:$0x3FB0] =	sst s8  }
0x11: {  	[smem:$0x3FB1] =	sst s9;
	s0 =	simm.s32 @!p0 $0x0  }
0x12: {  	s1 =	sld [smem:$0x3F97];
	s0 =	simm.s32 @p0 $0x1  }
0x13: {  	[smem:$0x3FB2] =	sst s0;
	s0 =	simm.s32 @!p1 $0x0  }
0x14: {  	s2 =	sld [smem:$0x3F96];
	s0 =	simm.s32 @p1 $0x1  }
0x15: {  	[smem:$0x3FB3] =	sst s0;
	s0 =	simm.s32 @!p2 $0x0  }
0x16: {  	s3 =	sld [smem:$0x3FDB];
	s0 =	simm.s32 @p2 $0x1  }
0x17: {  	s4 =	simm.s32 $0x1BF5;
	[smem:$0x3FB5] =	sst s0  }
0x18: {  	s0 =	sld [smem:$0x3F98];
	_ =	swait.ge [sflag:s4], $0x0  }
0x19: {  	s7 =	sld [smem:$0x3F99]  }
0x1a: {  	s8 =	sadd.s32 $0xFFFFE003, lr  }
0x1b: {  	s9 =	sadd.s32 $0xFFFFFEF7, lr;
	s5 =	simm.s32 $0xFFFFFFFF;
	p2 =	slt.u32 s8, $0xFFFFF086  }
0x1c: {  	p1 =	slt.u32 s9, $0xF7A;
	s5 =	simm.s32 @!p2 $0x0  }
0x1d: {  	s5 =	simm.s32 @p1 $0x1;
	p0 =	seq.s32 s7, s2  }
0x1e: {  	s7 =	smul.u32 @!p0 $0xF7A, s2;
	p2 =	seq.s32 @!p0 s5, $0x0  }
0x1f: {  	s9 =	smul.u32 $0xF7A, s1;
	s8 =	simm.s32 @!p0 $0x1BF5;
	p2 =	por !p2, p0  }
0x20: {  	[sflag:s8] =	ssyncset.s32 @!p0 $0xFFFFF086;
	s6 =	sadd.s32 @!p0 s3, s7;
	s7 =	simm.s32 @!p0 $0x108  }
0x21: {  	s3 =	sadd.s32 s3, s9;
	s6 =	sadd.s32 @!p0 $0x88, s6;
	s7 =	simm.s32 @p2 $0x1082  }
0x22: {  	[simem:s7], [sflag:s8] =	dma.local @!p0 [hbm:s6], $0xF7A  }
0x23: {  	s9 =	sor.u32 $0xD0000000, s2;
	s6 =	simm.s32 $0x108;
	_ =	swait.ge @!p0 [sflag:s8], $0x0  }
0x24: {  	s3 =	sadd.s32 $0x88, s3;
	s6 =	simm.s32 @!p1 $0x1082;
	[sflag:s4] =	ssyncset.s32 $0xFFFFF086  }
0x25: {  	[simem:s6], [sflag:s4] =	dma.local [hbm:s3], $0xF7A  }
0x26: {  	[smem:$0x3F99] =	sst s1;
	(tag) =	ssettag s2;
	_ =	strace s9  }
0x27: {  	s1 =	sld [smem:$0x3FA9]  }
0x28: {  	s2 =	sld [smem:$0x3FAA]  }
0x29: {  	s4 =	sld [smem:$0x3FAC]  }
0x2a: {  	p0 =	seq.s32 s5, $0x0;
	s5 =	sld [smem:$0x3FAD]  }
0x2b: {  	s6 =	sld [smem:$0x3FAE]  }
0x2c: {  	s7 =	sld [smem:$0x3FAF]  }
0x2d: {  	s3 =	simm.s32 $0x108;
	s8 =	sld [smem:$0x3FB0]  }
0x2e: {  	s3 =	simm.s32 @!p0 $0x1082;
	s9 =	sld [smem:$0x3FB1]  }
0x2f: {  	lr =	sadd.s32 s0, s3;
	s0 =	sld [smem:$0x3FA8]  }
0x30: {  	s3 =	sld [smem:$0x3FAB]  }
0x31: {  	[smem:$0x3FB4] =	sst s10  }
0x32: {  	s10 =	sld [smem:$0x3FB2];
	_ =	sdelay $0x3  }
0x33: {  	p0 =	seq.s32 s10, $0x1;
	s10 =	sld [smem:$0x3FB4];
	_ =	sdelay $0x3  }
0x34: {  	[smem:$0x3FB4] =	sst s10  }
0x35: {  	s10 =	sld [smem:$0x3FB3];
	_ =	sdelay $0x3  }
0x36: {  	p1 =	seq.s32 s10, $0x1;
	s10 =	sld [smem:$0x3FB4];
	_ =	sdelay $0x3  }
0x37: {  	[smem:$0x3FB4] =	sst s10  }
0x38: {  	s10 =	sld [smem:$0x3FB5]  }
0x39: {  	_ = 	snop;
	(pc) =	sbr.ind lr, $3  }
0x3a: {  	_ = 	snop  }
0x3b: {  	_ = 	snop  }
0x3c: {  	p2 =	seq.s32 s10, $0x1;
	s10 =	sld [smem:$0x3FB4]  }
0x3d: {  	_ =	shalt  }
0x3e: {  	_ =	shalt  }
0x3f: {  	_ =	shalt  }
0x40: {  	_ =	shalt  }
0x41: {  	_ =	shalt  }
0x42: {  	_ =	shalt  }
0x43: {  	_ =	shalt  }
0x44: {  	_ =	shalt  }
0x45: {  	_ =	shalt  }
0x46: {  	_ =	shalt  }
0x47: {  	_ =	shalt  }
0x48: {  	_ =	shalt  }
0x49: {  	_ =	shalt  }
0x4a: {  	_ =	shalt  }
0x4b: {  	_ =	shalt  }
0x4c: {  	_ =	shalt  }
0x4d: {  	_ =	shalt  }
0x4e: {  	_ =	shalt  }
0x4f: {  	_ =	shalt  }
0x50: {  	_ =	shalt  }
0x51: {  	_ =	shalt  }
0x52: {  	_ =	shalt  }
0x53: {  	_ =	shalt  }
0x54: {  	_ =	shalt  }
0x55: {  	_ =	shalt  }
0x56: {  	_ =	shalt  }
0x57: {  	_ =	shalt  }
0x58: {  	_ =	shalt  }
0x59: {  	_ =	shalt  }
0x5a: {  	_ =	shalt  }
0x5b: {  	_ =	shalt  }
0x5c: {  	_ =	shalt  }
0x5d: {  	_ =	shalt  }
0x5e: {  	_ =	shalt  }
0x5f: {  	_ =	shalt  }
0x60: {  	_ =	shalt  }
0x61: {  	_ =	shalt  }
0x62: {  	_ =	shalt  }
0x63: {  	_ =	shalt  }
0x64: {  	_ =	shalt  }
0x65: {  	_ =	shalt  }
0x66: {  	_ =	shalt  }
0x67: {  	_ =	shalt  }
0x68: {  	_ =	shalt  }
0x69: {  	_ =	shalt  }
0x6a: {  	_ =	shalt  }
0x6b: {  	_ =	shalt  }
0x6c: {  	_ =	shalt  }
0x6d: {  	_ =	shalt  }
0x6e: {  	_ =	shalt  }
0x6f: {  	_ =	shalt  }
0x70: {  	_ =	shalt  }
0x71: {  	_ =	shalt  }
0x72: {  	_ =	shalt  }
0x73: {  	_ =	shalt  }
0x74: {  	_ =	shalt  }
0x75: {  	_ =	shalt  }
0x76: {  	_ =	shalt  }
0x77: {  	_ =	shalt  }
0x78: {  	_ =	shalt  }
0x79: {  	_ =	shalt  }
0x7a: {  	_ =	shalt  }
0x7b: {  	_ =	shalt  }
0x7c: {  	_ =	shalt  }
0x7d: {  	_ =	shalt  }
0x7e: {  	_ =	shalt  }
0x7f: {  	_ =	shalt  }
0x80: {  	_ =	shalt  }
0x81: {  	_ =	shalt  }
0x82: {  	_ =	shalt  }
0x83: {  	_ =	shalt  }
0x84: {  	_ =	shalt  }
0x85: {  	_ =	shalt  }
0x86: {  	_ =	shalt  }
0x87: {  	_ =	shalt  }
.Lfunc_end0:
.L_simem_size_0:
called_computation.2_lowered:
.L_overlay_start_0:
0x88: {  	s2 =	sld [smem:$0x3FD9]  }
0x89: {  	s3 =	sld [smem:$0x3FFE];
	_ =	sdelay $0x1  }
0x8a: {  	s1 =	srdreg.scid  }
0x8b: {  	s0 =	sand.u32 $0x1, s1  }
0x8c: {  	s17 =	sshll.u32 s0, $0xA;
	s2 =	sadd.s32 s3, s2  }
0x8d: {  	s2 =	sadd.s32 s2, s17  }
0x8e: {  	[smem:$0x3FC0] =	sst s2  }
0x8f: {  	_ = 	snop  }
0x90: {  	s2 =	sld [smem:$0x3FD0];
	(tm) =	ssettm $0x1  }
0x91: {  	s18 =	sld [smem:$0x3FFB];
	_ =	sdelay $0x3  }
0x92: {  	_ =	strace s18  }
0x93: {  	s3 =	sld [smem:$0x3FFC];
	_ =	sdelay $0x3  }
0x94: {  	_ =	strace s3  }
0x95: {  	s3 =	sld [smem:$0x3FFD];
	_ =	sdelay $0x3  }
0x96: {  	_ =	strace s3  }
0x97: {  	_ =	strace $0x8FFFFFFF  }
0x98: {  	s19 =	sld [smem:$0x3FDB];
	_ =	sdelay $0x1  }
0x99: {  	s4 =	simm.s32 $_scs_section_size  }
0x9a: {  	s5 =	simm.s32 $_size__tile_overlayer_lowered;
	s6 =	simm.s32 $_tile_overlayer_lowered  }
0x9b: {  	s22 =	simm.s32 $0x1BFF;
	s21 =	sshll.u32 s6, $0x1;
	s3 =	sadd.s32 s4, s19  }
0x9c: {  	s7 =	simm.s32 $0x0;
	s20 =	sshll.u32 s5, $0x1;
	s5 =	sadd.s32 s21, s3  }
0x9d: {  	[timem:s7], [sflag:s22] =	dma.local [hbm:s5], s20  }
0x9e: {  	_ =	swait.ge [sflag:s22], s20  }
0x9f: {  	s4 =	ssub.s32 $0x0, s20;
	[sflag:s22] =	ssyncset.done $0x0  }
0xa0: {  	[sflag:s22] =	ssyncadd.s32 s4;
	_ =	sdelay $0x1  }
0xa1: {  	s23 =	simm.s32 $0x1B8B  }
0xa2: {  	_ =	swait.ge [sflag:s23], $0x1  }
0xa3: {  	[sflag:s23] =	ssyncset.done $0x0  }
0xa4: {  	s25 =	simm.s32 $0x1B8E;
	s24 =	sld [smem:$0x3FFE];
	[sflag:s23] =	ssyncadd.s32 $0xFFFFFFFF  }
0xa5: {  	s26 =	simm.s32 $execute0_lowered;
	[smem:$0x3FD2] =	sst s25  }
0xa6: {  	s5 =	sshll.u32 s26, $0x1;
	_ =	strace $0x8000004C;
	[dreg:$0x1] =	wrdreg $0xFFFFFFFF  }
0xa7: {  	s28 =	simm.s32 $_size_execute0_lowered;
	s3 =	sadd.s32 s3, s5;
	[dreg:$0x0] =	wrdreg $0x0  }
0xa8: {  	s5 =	sshll.u32 s28, $0x1;
	[dreg:$0x2] =	wrdreg s3  }
0xa9: {  	[dreg:$0x3] =	wrdreg s5  }
0xaa: {  	[dreg:$0x4] =	wrdreg $0xC0  }
0xab: {  	_ =	task [dreg:s7], $0x5FFFF  }
0xac: {  	[dreg:$0x1] =	wrdreg $0xFFFFFFFF  }
0xad: {  	[dreg:$0x0] =	wrdreg $0x60  }
0xae: {  	[dreg:$0x2] =	wrdreg s24  }
0xaf: {  	[dreg:$0x3] =	wrdreg s2  }
0xb0: {  	[dreg:$0x4] =	wrdreg $0xAA000  }
0xb1: {  	[dreg:$0x5] =	wrdreg $0x9  }
0xb2: {  	_ =	task.clear_ibuf [dreg:s7], $0x6FFFF;
	_ =	strace $0x9000004C  }
0xb3: {  	s29 =	simm.s32 $0x9;
	_ =	strace $0x8000004E  }
0xb4: {  	_ =	swait.ge [sflag:s29], $0x1  }
0xb5: {  	[sflag:s29] =	ssyncadd.s32 $0xFFFFFFFF  }
0xb6: {  	_ =	strace $0x9000004E  }
0xb7: {  	_ =	sfence  }
0xb8: {  	s30 =	sld [smem:$0x0];
	_ =	sdelay $0x2  }
0xb9: {  	s31 =	sshll.u32 s1, $0xD;
	s1 =	sshrl.u32 s1, $0x2  }
0xba: {  	s3 =	sand.u32 $0x4000, s31;
	s1 =	sadd.s32 s1, s30  }
0xbb: {  	s0 =	sor.u32 s3, s0;
	s1 =	sshll.u32 s1, $0x11  }
0xbc: {  	s0 =	sor.u32 s1, s0  }
0xbd: {  	s0 =	sadd.s32 $0x8F2B, s0  }
0xbe: {  	[sflag:s0] =	ssyncadd.remote.s32 $0x1  }
0xbf: {  	_ =	sfence.sel $0xFFFF  }
0xc0: {  	[dreg:$0x0] =	wrdreg $0xFFFFFFFF;
	(pc) =	sbr.abs _section_cstart, $3  }
0xc1: {  	[dreg:$0x1] =	wrdreg $0xFFFFFFFF  }
0xc2: {  	_ =	task.clear_ibuf [dreg:s7], $0x2FFFF;
	_ =	strace $0x9FFFFFFF  }
0xc3: {  	(tm) =	ssettm $0x7FFFFFFF  }
tec
execute0_lowered:
.L_overlay_start_1:
0x0: {  	(tag) =	ssettag $0x1  }
0x1: {  	s0 =	srdreg.scid  }
0x2: {  	s8 =	rddreg [dreg:$0x0];
	s29 =	stileid.u32  }
0x3: {  	s3 =	rddreg [dreg:$0x2];
	s4 =	simm.s32 $0x0;
	s18 =	simm.s32 $0x6  }
0x4: {  	s19 =	simm.s32 $0x7D;
	s20 =	simm.s32 $0x2A00;
	s21 =	simm.s32 $0x0  }
0x5: {  	s9 =	sand.u32 $0x1, s0;
	[smem:$0x7FF] =	sst s4;
	s11 =	smul.u32 $0x14000, s29  }
0x6: {  	s6 =	sadd.s32 $0x2A600, s8;
	s7 =	sadd.s32 $0x20600, s8;
	s30 =	smul.u32 $0x50000, s29  }
0x7: {  	s1 =	sshll.u32 s9, $0x4;
	s10 =	smul.u32 $0x140000, s9;
	s9 =	ssub.s32 $0x2, s9  }
0x8: {  	_ =	strace $0x8000004D;
	s5 =	sor.u32 s29, s1;
	s14 =	sshrl.u32 s9, $0x1  }
0x9: {  	s31 =	sshrl.u32 s30, $0x2;
	s5 =	smul.u32 $0x2800, s5;
	s10 =	sadd.s32 s11, s10  }
0xa: {  	s14 =	ssub.s32 s9, s14;
	s16 =	sadd.s32 s31, s3;
	s10 =	sshrl.u32 s10, $0x3  }
0xb: {  	s14 =	smax.u32 s14, $0x1;
	s12 =	sshrl.u32 s5, $0x3;
	s15 =	sadd.s32 s10, s8  }
0xc: {  	s13 =	sadd.s32 s12, s8;
	s8 =	sshll.u32 s29, $0x6;
	s9 =	sadd.s32 s7, s12  }
0xd: {  	s10 =	sor.u32 $0x1C06, s8;
	s11 =	sadd.s32 $0x16600, s13;
	s12 =	sadd.s32 $0x10, s9  }
0xe: {  	s13 =	sadd.s32 $0x51800, s15;
	s15 =	sshrl.u32 s16, $0x3;
	s16 =	simm.s32 $0x7  }
.LBB2_1:
0xf: {  	s0 =	rddreg [dreg:$0x1]  }
0x10: {  	s26 =	simm.s32 $0x200;
	s25 =	simm.s32 $0x80;
	s22 =	simm.s32 $0x2  }
0x11: {  	[spmem:s15], [sflag:s10] =	dma.local [hbm:s0], $0x2800  }
0x12: {  	[tilespmem:s26], [sflag:$0x7] =	stream.linear.gather [hbm4b:s11+s4], $0x2800, $0x38;
	[tilespmem:$0x1EA00] =	vst v63  }
0x13: {  	p0 =	por $0x0, $0x0;
	s23 =	simm.s32 $0x100;
	_ =	swait.ge [sflag:s16], $0x2800  }
0x14: {  	s24 =	simm.s32 $0x0;
	s28 =	simm.s32 $0x1;
	[sflag:s16] =	ssyncset.done $0x0  }
0x15: {  	p1 =	por $0x0, $0x0;
	s22 =	smul.u32 @!p0 $0xAB, s22;
	[sflag:s16] =	ssyncadd.s32 $0xFFFFD800  }
0x16: {  	[tilespmem:s4], [sflag:$0x7] =	stream.linear.gather [hbm4b:s9+s4], $0x80, $0x38;
	[tilespmem:$0x1EA00] =	vst v63  }
0x17: {  	s24 =	sand.u32 $0x1, s24;
	s29 =	sand.u32 @!p0 $0x7C00, s23;
	_ =	swait.ge [sflag:s16], $0x80  }
0x18: {  	s30 =	smul.u32 $0xAB, s28;
	s23 =	sand.u32 @!p0 $0x380, s23;
	[sflag:s16] =	ssyncset.done $0x0  }
0x19: {  	s31 =	simm.s32 @!p0 $0x0;
	s29 =	sadd.s32 @!p0 s5, s29;
	[sflag:s16] =	ssyncadd.s32 $0xFFFFFF80  }
0x1a: {  	[tilespmem:s25], [sflag:$0x2] =	stream.linear.gather [hbm4b:s12+s4], $0x80, $0x38;
	[tilespmem:$0x1EA00] =	vst v63  }
0x1b: {  	s23 =	sor.u32 @!p0 s23, s29;
	s29 =	sor.u32 $0x4, s24;
	s25 =	sshrl.u32 @!p0 s22, $0x9  }
0x1c: {  	s30 =	sshrl.u32 s30, $0x9;
	_ =	swait.ge [sflag:s18], $0x2800;
	s25 =	sand.u32 @!p0 $0x7F, s25  }
0x1d: {  	s24 =	sshll.u32 s24, $0xE;
	[sflag:s18] =	ssyncset.done $0x0;
	s25 =	smul.u32 @!p0 $0x3, s25  }
0x1e: {  	s23 =	sshrl.u32 @!p0 s23, $0x3;
	s30 =	sand.u32 $0x7F, s30;
	[sflag:s18] =	ssyncadd.s32 $0xFFFFD800  }
0x1f: {  	s30 =	smul.u32 $0x3, s30;
	[bflag:$0x0] =	sbarrier.arrive $0xFFFF;
	s25 =	ssub.s32 @!p0 $0x2, s25  }
0x20: {  	[tilespmem:s20], [sflag:$0x4] =	stream.indirect.gather [hbm4b:s6+s19], $0x80, s4, s19, $0xb8;
	[tilespmem:$0x1EA00] =	vst v63  }
0x21: {  	s23 =	sadd.s32 @!p0 s7, s23;
	s30 =	ssub.s32 $0x1, s30;
	s25 =	sand.u32 @!p0 $0xFF, s25  }
0x22: {  	s22 =	simm.s32 $0x3;
	s1 =	sshll.u32 @!p0 s25, $0x7;
	s25 =	sadd.s32 @!p0 $0x1, s25  }
0x23: {  	[tilespmem:s1], [sflag:s25] =	stream.linear.gather @!p0 [hbm4b:s23+s31], $0x80, $0x38;
	[tilespmem:$0x1EA00] =	vst v63  }
0x24: {  	s25 =	simm.s32 $0x4;
	p0 =	por $0x0, $0x0;
	_ =	swait.ge [sflag:s29], $0x3E80  }
0x25: {  	s1 =	sand.u32 $0xFF, s30;
	s23 =	sand.u32 $0x1, s28;
	[sflag:s29] =	ssyncset.done $0x0  }
0x26: {  	s31 =	simm.s32 $0x1;
	s28 =	sadd.s32 @!p0 $0x1, s1;
	[sflag:s29] =	ssyncadd.s32 $0xFFFFC180  }
0x27: {  	s30 =	simm.s32 @!p0 $0x7D;
	s1 =	sshll.u32 @!p0 s1, $0x7;
	_ =	swait.ge @!p0 [sflag:s28], $0x80  }
0x28: {  	s29 =	sshll.u32 @!p0 s23, $0xE;
	s23 =	sor.u32 @!p0 $0x4, s23;
	[sflag:s28] =	ssyncset.done @!p0 $0x0  }
0x29: {  	s29 =	sor.u32 @!p0 $0x2A00, s29;
	[sflag:s28] =	ssyncadd.s32 @!p0 $0xFFFFFF80;
	s28 =	simm.s32 $0x180  }
0x2a: {  	[tilespmem:s29], [sflag:s23] =	stream.indirect.gather @!p0 [hbm4b:s6+s30], $0x80, s1, s30, $0xb8;
	[tilespmem:$0x1EA00] =	vst v63  }
0x2b: {  	s29 =	sor.u32 $0x2A00, s24;
	s23 =	simm.s32 $0x280;
	s24 =	sand.u32 $0x1, s31  }
.LBB2_2:
0x2c: {  	s1 =	smul.u32 @!p1 $0xAB, s22  }
0x2d: {  	p0 =	seq.s32 s22, $0x51;
	s30 =	smov.u32 s25;
	s25 =	sadd.s32 $0x1, s25  }
0x2e: {  	[spmem:s3] =	stream.indirect.scatter.add.f32 [tilespmem:s29], [sflag:$0x7], $0x80, s26, s19, $0xb8;
	[tilespmem:$0x1EA00] =	vst v63  }
0x2f: {  	s26 =	simm.s32 @!p1 $0x0;
	s1 =	sshrl.u32 @!p1 s1, $0x9;
	_ =	swait.ge [sflag:s16], $0x3E80  }
0x30: {  	s29 =	sadd.s32 $0xFFFFFFFF, s22;
	s1 =	sand.u32 @!p1 $0x7F, s1;
	[sflag:s16] =	ssyncset.done $0x0  }
0x31: {  	s31 =	sand.u32 @!p1 $0x7C00, s28;
	s1 =	smul.u32 @!p1 $0x3, s1;
	[sflag:s16] =	ssyncadd.s32 $0xFFFFC180  }
0x32: {  	s2 =	sand.u32 @!p1 $0x380, s28;
	s31 =	sadd.s32 @!p1 s5, s31;
	s0 =	smul.u32 $0xAB, s29  }
0x33: {  	s2 =	sor.u32 @!p1 s2, s31;
	s1 =	ssub.s32 @!p1 s22, s1;
	s22 =	sor.u32 $0x4, s24  }
0x34: {  	s2 =	sshrl.u32 @!p1 s2, $0x3;
	s0 =	sshrl.u32 s0, $0x9;
	s1 =	sand.u32 @!p1 $0xFF, s1  }
0x35: {  	s2 =	sadd.s32 @!p1 s7, s2;
	s31 =	sshll.u32 @!p1 s1, $0x7;
	s1 =	sadd.s32 @!p1 $0x1, s1  }
0x36: {  	[tilespmem:s31], [sflag:s1] =	stream.linear.gather @!p1 [hbm4b:s2+s26], $0x80, $0x38;
	[tilespmem:$0x1EA00] =	vst v63  }
0x37: {  	s0 =	sand.u32 $0x7F, s0;
	s1 =	sand.u32 $0x1, s29;
	_ =	swait.ge [sflag:s22], $0x3E80  }
0x38: {  	s0 =	smul.u32 $0x3, s0;
	s2 =	sshll.u32 @!p0 s1, $0xE;
	[sflag:s22] =	ssyncset.done $0x0  }
0x39: {  	p2 =	sne.s32 s25, $0x52;
	[sflag:s22] =	ssyncadd.s32 $0xFFFFC180;
	s22 =	smov.u32 s30  }
0x3a: {  	s0 =	ssub.s32 s29, s0;
	s26 =	smov.u32 s23;
	s30 =	simm.s32 @!p0 $0x7D  }
0x3b: {  	s0 =	sand.u32 $0xFF, s0;
	s1 =	sor.u32 @!p0 $0x4, s1;
	s2 =	sor.u32 @!p0 $0x2A00, s2  }
0x3c: {  	s24 =	sshll.u32 s24, $0xE;
	s31 =	sadd.s32 @!p0 $0x1, s0;
	s0 =	sshll.u32 @!p0 s0, $0x7  }
.Ltmp0:
0x3d: {  	_ =	swait.ge @!p0 [sflag:s31], $0x80;
	(pc) =	sbr.rel @p2 .LBB2_2-.Ltmp0, $4  }
0x3e: {  	s29 =	sor.u32 $0x2A00, s24;
	[sflag:s31] =	ssyncset.done @!p0 $0x0  }
0x3f: {  	s23 =	sadd.s32 $0x80, s23;
	s17 =	sadd.s32 $0xFFFFFFFE, s22;
	[sflag:s31] =	ssyncadd.s32 @!p0 $0xFFFFFF80  }
0x40: {  	[tilespmem:s2], [sflag:s1] =	stream.indirect.gather @!p0 [hbm4b:s6+s30], $0x80, s0, s30, $0xb8;
	[tilespmem:$0x1EA00] =	vst v63  }
0x41: {  	s28 =	sadd.s32 $0x80, s28;
	s24 =	sand.u32 $0x1, s17;
	p1 =	sgt.u32 s17, $0x4D  }
0x42: {  	s0 =	smul.u32 @!p1 $0xAB, s22  }
0x43: {  	[spmem:s3] =	stream.indirect.scatter.add.f32 [tilespmem:s29], [sflag:$0x7], $0x80, s26, s19, $0xb8;
	[tilespmem:$0x1EA00] =	vst v63  }
0x44: {  	s1 =	simm.s32 @!p1 $0x0;
	s0 =	sshrl.u32 @!p1 s0, $0x9  }
0x45: {  	s2 =	sadd.s32 $0xFFFFFFFF, s22;
	s17 =	sand.u32 @!p1 $0x7C00, s28;
	s0 =	sand.u32 @!p1 $0x7F, s0  }
0x46: {  	s26 =	sand.u32 @!p1 $0x380, s28;
	_ =	swait.ge [sflag:s16], $0x3E80;
	s0 =	smul.u32 @!p1 $0x3, s0  }
0x47: {  	s25 =	smul.u32 $0xAB, s2;
	s17 =	sadd.s32 @!p1 s5, s17;
	[sflag:s16] =	ssyncset.done $0x0  }
0x48: {  	s17 =	sor.u32 @!p1 s26, s17;
	[sflag:s16] =	ssyncadd.s32 $0xFFFFC180;
	s0 =	ssub.s32 @!p1 s22, s0  }
0x49: {  	s25 =	sshrl.u32 s25, $0x9;
	s17 =	sshrl.u32 @!p1 s17, $0x3;
	s0 =	sand.u32 @!p1 $0xFF, s0  }
0x4a: {  	s17 =	sadd.s32 @!p1 s7, s17;
	s26 =	sshll.u32 @!p1 s0, $0x7;
	s0 =	sadd.s32 @!p1 $0x1, s0  }
0x4b: {  	[tilespmem:s26], [sflag:s0] =	stream.linear.gather @!p1 [hbm4b:s17+s1], $0x80, $0x38;
	[tilespmem:$0x1EA00] =	vst v63  }
0x4c: {  	s26 =	sand.u32 $0x7F, s25  }
0x4d: {  	s0 =	smul.u32 $0x3, s26  }
0x4e: {  	s28 =	sor.u32 $0x4, s24  }
0x4f: {  	_ =	swait.ge [sflag:s28], $0x3E80;
	s0 =	ssub.s32 s2, s0  }
0x50: {  	p0 =	seq.s32 s22, $0x51;
	[sflag:s28] =	ssyncset.done $0x0;
	s0 =	sand.u32 $0xFF, s0  }
0x51: {  	s29 =	sshll.u32 s24, $0xE;
	[sflag:s28] =	ssyncadd.s32 $0xFFFFC180;
	s1 =	sadd.s32 @!p0 $0x1, s0  }
0x52: {  	s22 =	simm.s32 @!p0 $0x7D;
	s2 =	sand.u32 $0x1, s2;
	_ =	swait.ge @!p0 [sflag:s1], $0x80  }
0x53: {  	s17 =	sshll.u32 @!p0 s2, $0xE;
	s2 =	sor.u32 @!p0 $0x4, s2;
	[sflag:s1] =	ssyncset.done @!p0 $0x0  }
0x54: {  	s17 =	sor.u32 @!p0 $0x2A00, s17;
	s0 =	sshll.u32 @!p0 s0, $0x7;
	[sflag:s1] =	ssyncadd.s32 @!p0 $0xFFFFFF80  }
0x55: {  	[tilespmem:s17], [sflag:s2] =	stream.indirect.gather @!p0 [hbm4b:s6+s22], $0x80, s0, s22, $0xb8;
	[tilespmem:$0x1EA00] =	vst v63  }
0x56: {  	s30 =	sor.u32 $0x2A00, s29  }
0x57: {  	[spmem:s3] =	stream.indirect.scatter.add.f32 [tilespmem:s30], [sflag:$0x7], $0x80, s23, s19, $0xb8;
	[tilespmem:$0x1EA00] =	vst v63  }
0x58: {  	_ =	swait.ge [sflag:s16], $0x3E80  }
0x59: {  	s21 =	sadd.s32 $0x1, s21;
	[sflag:s16] =	ssyncset.done $0x0  }
0x5a: {  	p0 =	sne.s32 s21, s14;
	[sflag:s16] =	ssyncadd.s32 $0xFFFFC180  }
.Ltmp1:
0x5b: {  	s31 =	sor.u32 $0x1C07, s8;
	[bflag:$0x0] =	sbarrier.arrive $0xFFFF;
	(pc) =	sbr.rel @p0 .LBB2_1-.Ltmp1, $4  }
0x5c: {  	[hbm:s13], [sflag:s31] =	dma.local [spmem:s15], $0x2800  }
0x5d: {  	_ =	swait.ge [sflag:s16], $0x2800  }
0x5e: {  	[sflag:s16] =	ssyncset.done $0x0  }
0x5f: {  	[sflag:s16] =	ssyncadd.s32 $0xFFFFD800  }
0x60: {  	_ =	sfence.sel $0x180000  }
0x61: {  	[bflag:$0x0] =	sbarrier.arrive $0xFFFF  }
0x62: {  	_ =	strace $0x9000004D  }
0x63: {  	s0 =	stileid.u32;
	[bflag:$0x2] =	sbarrier.arrive $0xFFFF  }
0x64: {  	p0 =	sne.s32 s0, $0x0;
	s0 =	rddreg [dreg:$0x3]  }
0x65: {  	s0 =	sadd.s32 @!p0 $0x100000, s0  }
0x66: {  	[sflag:s0] =	ssyncadd.tile.s32 @!p0 $0x1;
	_ =	shalt  }
.Lfunc_end2:
_tile_overlayer_lowered:
.L_overlay_start_2:
0x67: {  	(tag) =	ssettag $0x2  }
0x68: {  	s0 =	rddreg [dreg:$0x0];
	s2 =	stileid.u32  }
0x69: {  	s1 =	rddreg [dreg:$0x1];
	p0 =	sne.s32 s2, $0x0  }
0x6a: {  	s3 =	rddreg [dreg:$0x2];
	[bflag:$0x3] =	sbarrier.arrive $0xFFFF;
	s2 =	simm.s32 @!p0 $0x1C07  }
0x6b: {  	[timem:s3], [sflag:s2] =	dma.local @!p0 [hbm:s0], s1  }
0x6c: {  	s0 =	simm.s32 @!p0 $0x7  }
0x6d: {  	_ =	swait.ge @!p0 [sflag:s0], s1  }
0x6e: {  	s1 =	ssub.s32 @!p0 $0x0, s1;
	[sflag:s0] =	ssyncset.done @!p0 $0x0  }
0x6f: {  	[sflag:s0] =	ssyncadd.s32 @!p0 s1  }
0x70: {  	[bflag:$0x3] =	sbarrier.arrive $0xFFFF  }
0x71: {  	_ =	shalt  }

// kernel: kernel.9.cloned.1.call-start
scs
__scs_entry_jumppad:
0x0: {  	(pc) =	sbr.rel $0x88, $3  }
0x1: {  	(tag) =	ssettag $0x0;
	lr =	simm.s32 $0x1  }
0x2: {  	[smem:$0x3F99] =	sst lr;
	_ =	strace $0xD0000000  }
0x3: {  	_ = 	snop  }
0x4: {  	_ = 	snop  }
0x5: {  	_ = 	snop  }
0x6: {  	_ = 	snop  }
0x7: {  	_ = 	snop  }
__scs_overlays_trampoline_lowered:
0x8: {  	[smem:$0x3FA8] =	sst s0  }
0x9: {  	[smem:$0x3FA9] =	sst s1  }
0xa: {  	[smem:$0x3FAA] =	sst s2  }
0xb: {  	[smem:$0x3FAB] =	sst s3  }
0xc: {  	[smem:$0x3FAC] =	sst s4  }
0xd: {  	[smem:$0x3FAD] =	sst s5  }
0xe: {  	[smem:$0x3FAE] =	sst s6  }
0xf: {  	[smem:$0x3FAF] =	sst s7  }
0x10: {  	[smem:$0x3FB0] =	sst s8  }
0x11: {  	[smem:$0x3FB1] =	sst s9;
	s0 =	simm.s32 @!p0 $0x0  }
0x12: {  	s1 =	sld [smem:$0x3F97];
	s0 =	simm.s32 @p0 $0x1  }
0x13: {  	[smem:$0x3FB2] =	sst s0;
	s0 =	simm.s32 @!p1 $0x0  }
0x14: {  	s2 =	sld [smem:$0x3F96];
	s0 =	simm.s32 @p1 $0x1  }
0x15: {  	[smem:$0x3FB3] =	sst s0;
	s0 =	simm.s32 @!p2 $0x0  }
0x16: {  	s3 =	sld [smem:$0x3FDB];
	s0 =	simm.s32 @p2 $0x1  }
0x17: {  	s4 =	simm.s32 $0x1BF5;
	[smem:$0x3FB5] =	sst s0  }
0x18: {  	s0 =	sld [smem:$0x3F98];
	_ =	swait.ge [sflag:s4], $0x0  }
0x19: {  	s7 =	sld [smem:$0x3F99]  }
0x1a: {  	s8 =	sadd.s32 $0xFFFFE003, lr  }
0x1b: {  	s9 =	sadd.s32 $0xFFFFFEF7, lr;
	s5 =	simm.s32 $0xFFFFFFFF;
	p2 =	slt.u32 s8, $0xFFFFF086  }
0x1c: {  	p1 =	slt.u32 s9, $0xF7A;
	s5 =	simm.s32 @!p2 $0x0  }
0x1d: {  	s5 =	simm.s32 @p1 $0x1;
	p0 =	seq.s32 s7, s2  }
0x1e: {  	s7 =	smul.u32 @!p0 $0xF7A, s2;
	p2 =	seq.s32 @!p0 s5, $0x0  }
0x1f: {  	s9 =	smul.u32 $0xF7A, s1;
	s8 =	simm.s32 @!p0 $0x1BF5;
	p2 =	por !p2, p0  }
0x20: {  	[sflag:s8] =	ssyncset.s32 @!p0 $0xFFFFF086;
	s6 =	sadd.s32 @!p0 s3, s7;
	s7 =	simm.s32 @!p0 $0x108  }
0x21: {  	s3 =	sadd.s32 s3, s9;
	s6 =	sadd.s32 @!p0 $0x88, s6;
	s7 =	simm.s32 @p2 $0x1082  }
0x22: {  	[simem:s7], [sflag:s8] =	dma.local @!p0 [hbm:s6], $0xF7A  }
0x23: {  	s9 =	sor.u32 $0xD0000000, s2;
	s6 =	simm.s32 $0x108;
	_ =	swait.ge @!p0 [sflag:s8], $0x0  }
0x24: {  	s3 =	sadd.s32 $0x88, s3;
	s6 =	simm.s32 @!p1 $0x1082;
	[sflag:s4] =	ssyncset.s32 $0xFFFFF086  }
0x25: {  	[simem:s6], [sflag:s4] =	dma.local [hbm:s3], $0xF7A  }
0x26: {  	[smem:$0x3F99] =	sst s1;
	(tag) =	ssettag s2;
	_ =	strace s9  }
0x27: {  	s1 =	sld [smem:$0x3FA9]  }
0x28: {  	s2 =	sld [smem:$0x3FAA]  }
0x29: {  	s4 =	sld [smem:$0x3FAC]  }
0x2a: {  	p0 =	seq.s32 s5, $0x0;
	s5 =	sld [smem:$0x3FAD]  }
0x2b: {  	s6 =	sld [smem:$0x3FAE]  }
0x2c: {  	s7 =	sld [smem:$0x3FAF]  }
0x2d: {  	s3 =	simm.s32 $0x108;
	s8 =	sld [smem:$0x3FB0]  }
0x2e: {  	s3 =	simm.s32 @!p0 $0x1082;
	s9 =	sld [smem:$0x3FB1]  }
0x2f: {  	lr =	sadd.s32 s0, s3;
	s0 =	sld [smem:$0x3FA8]  }
0x30: {  	s3 =	sld [smem:$0x3FAB]  }
0x31: {  	[smem:$0x3FB4] =	sst s10  }
0x32: {  	s10 =	sld [smem:$0x3FB2];
	_ =	sdelay $0x3  }
0x33: {  	p0 =	seq.s32 s10, $0x1;
	s10 =	sld [smem:$0x3FB4];
	_ =	sdelay $0x3  }
0x34: {  	[smem:$0x3FB4] =	sst s10  }
0x35: {  	s10 =	sld [smem:$0x3FB3];
	_ =	sdelay $0x3  }
0x36: {  	p1 =	seq.s32 s10, $0x1;
	s10 =	sld [smem:$0x3FB4];
	_ =	sdelay $0x3  }
0x37: {  	[smem:$0x3FB4] =	sst s10  }
0x38: {  	s10 =	sld [smem:$0x3FB5]  }
0x39: {  	_ = 	snop;
	(pc) =	sbr.ind lr, $3  }
0x3a: {  	_ = 	snop  }
0x3b: {  	_ = 	snop  }
0x3c: {  	p2 =	seq.s32 s10, $0x1;
	s10 =	sld [smem:$0x3FB4]  }
0x3d: {  	_ =	shalt  }
0x3e: {  	_ =	shalt  }
0x3f: {  	_ =	shalt  }
0x40: {  	_ =	shalt  }
0x41: {  	_ =	shalt  }
0x42: {  	_ =	shalt  }
0x43: {  	_ =	shalt  }
0x44: {  	_ =	shalt  }
0x45: {  	_ =	shalt  }
0x46: {  	_ =	shalt  }
0x47: {  	_ =	shalt  }
0x48: {  	_ =	shalt  }
0x49: {  	_ =	shalt  }
0x4a: {  	_ =	shalt  }
0x4b: {  	_ =	shalt  }
0x4c: {  	_ =	shalt  }
0x4d: {  	_ =	shalt  }
0x4e: {  	_ =	shalt  }
0x4f: {  	_ =	shalt  }
0x50: {  	_ =	shalt  }
0x51: {  	_ =	shalt  }
0x52: {  	_ =	shalt  }
0x53: {  	_ =	shalt  }
0x54: {  	_ =	shalt  }
0x55: {  	_ =	shalt  }
0x56: {  	_ =	shalt  }
0x57: {  	_ =	shalt  }
0x58: {  	_ =	shalt  }
0x59: {  	_ =	shalt  }
0x5a: {  	_ =	shalt  }
0x5b: {  	_ =	shalt  }
0x5c: {  	_ =	shalt  }
0x5d: {  	_ =	shalt  }
0x5e: {  	_ =	shalt  }
0x5f: {  	_ =	shalt  }
0x60: {  	_ =	shalt  }
0x61: {  	_ =	shalt  }
0x62: {  	_ =	shalt  }
0x63: {  	_ =	shalt  }
0x64: {  	_ =	shalt  }
0x65: {  	_ =	shalt  }
0x66: {  	_ =	shalt  }
0x67: {  	_ =	shalt  }
0x68: {  	_ =	shalt  }
0x69: {  	_ =	shalt  }
0x6a: {  	_ =	shalt  }
0x6b: {  	_ =	shalt  }
0x6c: {  	_ =	shalt  }
0x6d: {  	_ =	shalt  }
0x6e: {  	_ =	shalt  }
0x6f: {  	_ =	shalt  }
0x70: {  	_ =	shalt  }
0x71: {  	_ =	shalt  }
0x72: {  	_ =	shalt  }
0x73: {  	_ =	shalt  }
0x74: {  	_ =	shalt  }
0x75: {  	_ =	shalt  }
0x76: {  	_ =	shalt  }
0x77: {  	_ =	shalt  }
0x78: {  	_ =	shalt  }
0x79: {  	_ =	shalt  }
0x7a: {  	_ =	shalt  }
0x7b: {  	_ =	shalt  }
0x7c: {  	_ =	shalt  }
0x7d: {  	_ =	shalt  }
0x7e: {  	_ =	shalt  }
0x7f: {  	_ =	shalt  }
0x80: {  	_ =	shalt  }
0x81: {  	_ =	shalt  }
0x82: {  	_ =	shalt  }
0x83: {  	_ =	shalt  }
0x84: {  	_ =	shalt  }
0x85: {  	_ =	shalt  }
0x86: {  	_ =	shalt  }
0x87: {  	_ =	shalt  }
.Lfunc_end0:
.L_simem_size_0:
called_computation_lowered:
.L_overlay_start_0:
0x88: {  	s2 =	sld [smem:$0x3FD9]  }
0x89: {  	s3 =	sld [smem:$0x3FFE];
	_ =	sdelay $0x1  }
0x8a: {  	s1 =	srdreg.scid  }
0x8b: {  	s0 =	sand.u32 $0x1, s1  }
0x8c: {  	s17 =	sshll.u32 s0, $0xA;
	s2 =	sadd.s32 s3, s2  }
0x8d: {  	s2 =	sadd.s32 s2, s17  }
0x8e: {  	[smem:$0x3FC0] =	sst s2  }
0x8f: {  	_ = 	snop  }
0x90: {  	s2 =	sld [smem:$0x3FD0];
	(tm) =	ssettm $0x1  }
0x91: {  	s18 =	sld [smem:$0x3FFB];
	_ =	sdelay $0x3  }
0x92: {  	_ =	strace s18  }
0x93: {  	s3 =	sld [smem:$0x3FFC];
	_ =	sdelay $0x3  }
0x94: {  	_ =	strace s3  }
0x95: {  	s3 =	sld [smem:$0x3FFD];
	_ =	sdelay $0x3  }
0x96: {  	_ =	strace s3  }
0x97: {  	_ =	strace $0x8FFFFFFF  }
0x98: {  	s19 =	sld [smem:$0x3FDB];
	_ =	sdelay $0x1  }
0x99: {  	s4 =	simm.s32 $_scs_section_size  }
0x9a: {  	s5 =	simm.s32 $_size__tile_overlayer_lowered;
	s6 =	simm.s32 $_tile_overlayer_lowered  }
0x9b: {  	s22 =	simm.s32 $0x1BFF;
	s21 =	sshll.u32 s6, $0x1;
	s3 =	sadd.s32 s4, s19  }
0x9c: {  	s7 =	simm.s32 $0x0;
	s20 =	sshll.u32 s5, $0x1;
	s5 =	sadd.s32 s21, s3  }
0x9d: {  	[timem:s7], [sflag:s22] =	dma.local [hbm:s5], s20  }
0x9e: {  	_ =	swait.ge [sflag:s22], s20  }
0x9f: {  	s4 =	ssub.s32 $0x0, s20;
	[sflag:s22] =	ssyncset.done $0x0  }
0xa0: {  	[sflag:s22] =	ssyncadd.s32 s4;
	_ =	sdelay $0x1  }
0xa1: {  	s23 =	simm.s32 $0x1B8B  }
0xa2: {  	_ =	swait.ge [sflag:s23], $0x1  }
0xa3: {  	[sflag:s23] =	ssyncset.done $0x0  }
0xa4: {  	s25 =	simm.s32 $0x1B8E;
	s24 =	sld [smem:$0x3FFE];
	[sflag:s23] =	ssyncadd.s32 $0xFFFFFFFF  }
0xa5: {  	s26 =	simm.s32 $execute0_lowered;
	[smem:$0x3FD2] =	sst s25  }
0xa6: {  	s5 =	sshll.u32 s26, $0x1;
	_ =	strace $0x80000046;
	[dreg:$0x1] =	wrdreg $0xFFFFFFFF  }
0xa7: {  	s28 =	simm.s32 $_size_execute0_lowered;
	s3 =	sadd.s32 s3, s5;
	[dreg:$0x0] =	wrdreg $0x0  }
0xa8: {  	s5 =	sshll.u32 s28, $0x1;
	[dreg:$0x2] =	wrdreg s3  }
0xa9: {  	[dreg:$0x3] =	wrdreg s5  }
0xaa: {  	[dreg:$0x4] =	wrdreg $0xC0  }
0xab: {  	_ =	task [dreg:s7], $0x5FFFF  }
0xac: {  	[dreg:$0x1] =	wrdreg $0xFFFFFFFF  }
0xad: {  	[dreg:$0x0] =	wrdreg $0x60  }
0xae: {  	[dreg:$0x2] =	wrdreg s24  }
0xaf: {  	[dreg:$0x3] =	wrdreg s2  }
0xb0: {  	[dreg:$0x4] =	wrdreg $0x9  }
0xb1: {  	_ =	task.clear_ibuf [dreg:s7], $0x5FFFF;
	_ =	strace $0x90000046  }
0xb2: {  	s29 =	simm.s32 $0x9;
	_ =	strace $0x80000048  }
0xb3: {  	_ =	swait.ge [sflag:s29], $0x1  }
0xb4: {  	[sflag:s29] =	ssyncadd.s32 $0xFFFFFFFF  }
0xb5: {  	_ =	strace $0x90000048  }
0xb6: {  	_ =	sfence  }
0xb7: {  	s30 =	sld [smem:$0x0];
	_ =	sdelay $0x2  }
0xb8: {  	s31 =	sshll.u32 s1, $0xD;
	s1 =	sshrl.u32 s1, $0x2  }
0xb9: {  	s3 =	sand.u32 $0x4000, s31;
	s1 =	sadd.s32 s1, s30  }
0xba: {  	s0 =	sor.u32 s3, s0;
	s1 =	sshll.u32 s1, $0x11  }
0xbb: {  	s0 =	sor.u32 s1, s0  }
0xbc: {  	s0 =	sadd.s32 $0x8F2B, s0  }
0xbd: {  	[sflag:s0] =	ssyncadd.remote.s32 $0x1  }
0xbe: {  	_ =	sfence.sel $0xFFFF  }
0xbf: {  	[dreg:$0x0] =	wrdreg $0xFFFFFFFF;
	(pc) =	sbr.abs _section_cstart, $3  }
0xc0: {  	[dreg:$0x1] =	wrdreg $0xFFFFFFFF  }
0xc1: {  	_ =	task.clear_ibuf [dreg:s7], $0x2FFFF;
	_ =	strace $0x9FFFFFFF  }
0xc2: {  	(tm) =	ssettm $0x7FFFFFFF  }
0xc3: {  	_ =	shalt  }
tec
execute0_lowered:
.L_overlay_start_1:
0x0: {  	(tag) =	ssettag $0x1  }
0x1: {  	s0 =	srdreg.scid;
	s6 =	rddreg [dreg:$0x0]  }
0x2: {  	s2 =	rddreg [dreg:$0x1];
	s4 =	sand.u32 $0x1, s0  }
0x3: {  	s3 =	simm.s32 $0x0;
	s0 =	stileid.u32;
	s1 =	sshll.u32 s4, $0x4  }
0x4: {  	s9 =	simm.s32 $0x80;
	s10 =	simm.s32 $0x400;
	s5 =	sor.u32 s0, s1  }
0x5: {  	s11 =	simm.s32 $0x0;
	s1 =	sshrl.u32 s5, $0x3;
	s5 =	smul.u32 $0x500, s5  }
0x6: {  	s8 =	sshll.u32 s0, $0x7;
	s4 =	ssub.s32 $0x2, s4;
	s7 =	smul.u32 $0x13C00, s1  }
0x7: {  	[smem:$0x7FF] =	sst s3;
	s8 =	sand.u32 $0x380, s8;
	s31 =	sshrl.u32 s4, $0x1  }
0x8: {  	s1 =	rddreg [dreg:$0x2];
	s5 =	sadd.s32 s5, s6;
	s7 =	sor.u32 s8, s7  }
0x9: {  	_ =	strace $0x80000047;
	s5 =	sadd.s32 $0xC600, s5;
	s7 =	sshrl.u32 s7, $0x3  }
0xa: {  	s8 =	simm.s32 $0x1;
	s7 =	sadd.s32 s7, s6;
	s6 =	ssub.s32 s4, s31  }
0xb: {  	v0 =	vlaneseq.u32;
	v1 =	vimm.f32 $1.000000000e+00;
	s4 =	sadd.s32 $0x2800, s7;
	s6 =	smax.u32 s6, $0x1;
	s7 =	simm.s32 $0x2780  }
.LBB2_1:
0xc: {  	[tilespmem:s7], [sflag:$0x1] =	stream.linear.gather [hbm4b:s2+s3], $0x2800, $0x38;
	[tilespmem:$0x4F80] =	vst v63  }
0xd: {  	_ =	swait.ge [sflag:s8], $0x2800  }
0xe: {  	[sflag:s8] =	ssyncset.done $0x0  }
0xf: {  	v2 =	vor.u32 s3, v0;
	[sflag:s8] =	ssyncadd.s32 $0xFFFFD800  }
0x10: {  	[tilespmem:s3], [sflag:$0x1] =	stream.strided.gather [hbm4b:s4+s9], $0x2780, s10, s9, $0x38;
	[tilespmem:$0x4F80] =	vst v63  }
0x11: {  	_ =	swait.ge [sflag:s8], $0x2780  }
0x12: {  	[sflag:s8] =	ssyncset.done $0x0  }
0x13: {  	[sflag:s8] =	ssyncadd.s32 $0xFFFFD880  }
0x14: {  	v2 =	vld.idx.msk [tilespmem:v2+s3+$0x0], $0xffff;
	_ =	sdelay $0x2  }
0x15: {  	s12 =	simm.s32 $0x10  }
0x16: {  	v3 =	vor.u32 s12, v0;
	s12 =	simm.s32 $0x20  }
.LBB2_2:
0x17: {  	p0 =	sne.s32 s12, $0x2700;
	_ =	sdelay $0x2  }
0x18: {  	[tilespmem:v2+s7+$0x0] =	vst.idx.add.f32.msk $0xffff, v1  }
.Ltmp0:
0x19: {  	v2 =	vld.idx.msk [tilespmem:v3+s3+$0x0], $0xffff;
	(pc) =	sbr.rel @p0 .LBB2_2-.Ltmp0, $2  }
0x1a: {  	_ =	sdelay $0x2  }
0x1b: {  	v3 =	vor.u32 s12, v0;
	s12 =	sadd.s32 $0x10, s12  }
0x1c: {  	_ =	sdelay $0x3  }
0x1d: {  	[tilespmem:v2+s7+$0x0] =	vst.idx.add.f32.msk $0xffff, v1  }
0x1e: {  	v2 =	vld.idx.msk [tilespmem:v3+s3+$0x0], $0xffff;
	_ =	sdelay $0x5  }
0x1f: {  	s11 =	sadd.s32 $0x1, s11  }
0x20: {  	p0 =	sne.s32 s11, s6  }
.Ltmp1:
0x21: {  	[tilespmem:v2+s7+$0x0] =	vst.idx.add.f32.msk $0xffff, v1;
	(pc) =	sbr.rel @p0 .LBB2_1-.Ltmp1, $4  }
0x22: {  	[hbm4b:s5+s3] =	stream.linear.scatter [tilespmem:s7], [sflag:$0x1], $0x2800, $0x38;
	[tilespmem:$0x4F80] =	vst v63  }
0x23: {  	_ =	swait.ge [sflag:s8], $0x2800  }
0x24: {  	[sflag:s8] =	ssyncset.done $0x0  }
0x25: {  	[sflag:s8] =	ssyncadd.s32 $0xFFFFD800  }
0x26: {  	_ =	sfence.sel $0x180000  }
0x27: {  	[bflag:$0x0] =	sbarrier.arrive $0xFFFF  }
0x28: {  	p0 =	sne.s32 s0, $0x0;
	_ =	strace $0x90000047  }
0x29: {  	s0 =	sadd.s32 @!p0 $0x100000, s1;
	[bflag:$0x2] =	sbarrier.arrive $0xFFFF  }
0x2a: {  	[sflag:s0] =	ssyncadd.tile.s32 @!p0 $0x1;
	_ =	shalt  }
.Lfunc_end2:
_tile_overlayer_lowered:
.L_overlay_start_2:
0x2b: {  	(tag) =	ssettag $0x2  }
0x2c: {  	s0 =	rddreg [dreg:$0x0];
	s2 =	stileid.u32  }
0x2d: {  	s1 =	rddreg [dreg:$0x1];
	p0 =	sne.s32 s2, $0x0  }
0x2e: {  	s3 =	rddreg [dreg:$0x2];
	[bflag:$0x3] =	sbarrier.arrive $0xFFFF;
	s2 =	simm.s32 @!p0 $0x1C01  }
0x2f: {  	[timem:s3], [sflag:s2] =	dma.local @!p0 [hbm:s0], s1  }
0x30: {  	s0 =	simm.s32 @!p0 $0x1  }
0x31: {  	_ =	swait.ge @!p0 [sflag:s0], s1  }
0x32: {  	s1 =	ssub.s32 @!p0 $0x0, s1;
	[sflag:s0] =	ssyncset.done @!p0 $0x0  }
0x33: {  	[sflag:s0] =	ssyncadd.s32 @!p0 s1  }
0x34: {  	[bflag:$0x3] =	sbarrier.arrive $0xFFFF  }
0x35: {  	_ =	shalt  }

</sc_bundles>
